<compile_context>
chip_gen: v7x
topology: tpu7x:2x2x1
jax: 0.10.2.dev20260603
libtpu: 0.0.44.dev20260713+nightly
codegen_flags: <defaults>
</compile_context>

<pallas_src>
import functools
import numpy as np
import jax
import jax.numpy as jnp
from jax import lax
from jax.experimental import pallas as pl
from jax.experimental.pallas import tpu as pltpu
from jax.experimental.pallas import tpu_sc as plsc

B = 64
N = 64
T_H = 8
T_F = 12
D_TRAJ = 2
D = 256
INSIGHTS = 20
CAPACITY = 32
KP = B * CAPACITY
ROWS = B * N
RT = INSIGHTS * T_F * D_TRAJ
NC, NS, L = 2, 16, 16
NW = NC * NS



def _fit_mats():
    t = np.arange(T_H, dtype=np.float64)
    tm = t.mean()
    tv = np.sum((t - tm) ** 2)
    Lm = 1.0 / T_H + np.outer(t - tm, t - tm) / tv
    tf = np.arange(T_H, T_H + T_F, dtype=np.float64)
    Ym = 1.0 / T_H + np.outer(t - tm, tf - tm) / tv
    Rm = np.eye(T_H)
    Rm[T_H - 1, :] -= 1.0
    Dm = Rm @ (np.eye(T_H) - Lm)
    Am = Rm @ Ym
    Am[T_H - 1, :] += 1.0
    I2 = np.eye(D_TRAJ)
    M16 = np.kron(Dm, I2).astype(np.float32)
    YR16 = np.kron(Am, I2).astype(np.float32)
    Ym16 = np.kron(Ym, I2).astype(np.float32)
    return M16, YR16, Ym16


_M16, _YR16, _Ym16 = _fit_mats()

_E1 = np.zeros((T_F, T_F * D_TRAJ), np.float32)
_E2 = np.zeros((D_TRAJ, T_F * D_TRAJ), np.float32)
for _f in range(T_F):
    for _d in range(D_TRAJ):
        _E1[_f, 2 * _f + _d] = 1.0
        _E2[_d, 2 * _f + _d] = 1.0
_S1 = np.zeros((INSIGHTS, RT), np.float32)
_S2 = np.zeros((T_F * D_TRAJ, RT), np.float32)
for _i in range(INSIGHTS):
    for _fc in range(T_F * D_TRAJ):
        _S1[_i, _i * 24 + _fc] = 1.0
        _S2[_fc, _i * 24 + _fc] = 1.0
_KBLK = 256
_G = np.kron(np.eye(_KBLK, dtype=np.float32),
             np.ones((T_H, 1), np.float32)).T.copy()




def _k5_body(nei_ref, egol_ref, ego16_ref, M16_ref, YR16_ref, Ym16_ref,
             fmask_ref, base_ref, neim_ref, neiyr_ref, egom_ref):
    x3 = nei_ref[...]
    egol = egol_ref[...]
    dx = x3[:, :, 14] - egol[:, 0][:, None]
    dy = x3[:, :, 15] - egol[:, 1][:, None]
    dist = jnp.sqrt(dx * dx + dy * dy)
    valid = jnp.sum(jnp.abs(x3), axis=-1) > 0.05
    da = dist[:, :, None]
    db = dist[:, None, :]
    nb = lax.broadcasted_iota(jnp.int32, (16, N, N), 2)
    na = lax.broadcasted_iota(jnp.int32, (16, N, N), 1)
    beats = (db < da) | ((db == da) & (nb < na))
    rank = jnp.sum(beats.astype(jnp.int32), axis=-1)
    fmask_ref[...] = ((rank < CAPACITY) & valid).astype(jnp.int32)

    M16 = M16_ref[...]
    YR16 = YR16_ref[...]
    Ym16 = Ym16_ref[...]

    def app(mat, ncol):
        acc = jnp.zeros((16, N, ncol), jnp.float32)
        for c in range(16):
            acc = acc + x3[:, :, c][:, :, None] * mat[c][None, None, :]
        return acc

    neim_ref[...] = app(M16, 16)
    neiyr_ref[...] = app(YR16, 24)
    base24 = app(Ym16, 24)
    base_ref[...] = jnp.concatenate([base24] * INSIGHTS, axis=-1)
    e16 = ego16_ref[...]
    eacc = jnp.zeros((16, 16), jnp.float32)
    for c in range(16):
        eacc = eacc + e16[:, c][:, None] * M16[c][None, :]
    egom_ref[...] = eacc


def _run_k5(nei4, egol, ego16):
    bspec = lambda blk, imap: pl.BlockSpec(blk, imap)
    grid = (4,)
    out_shapes = [
        jax.ShapeDtypeStruct((B, N), jnp.int32),
        jax.ShapeDtypeStruct((B, N, RT), jnp.float32),
        jax.ShapeDtypeStruct((B, N, 16), jnp.float32),
        jax.ShapeDtypeStruct((B, N, 24), jnp.float32),
        jax.ShapeDtypeStruct((B, 16), jnp.float32),
    ]
    fixed = lambda i: (0, 0)
    return pl.pallas_call(
        _k5_body,
        grid=grid,
        in_specs=[
            bspec((16, N, 16), lambda i: (i, 0, 0)),
            bspec((16, 2), lambda i: (i, 0)),
            bspec((16, 16), lambda i: (i, 0)),
            bspec((16, 16), lambda i: (0, 0)),
            bspec((16, 24), lambda i: (0, 0)),
            bspec((16, 24), lambda i: (0, 0)),
        ],
        out_specs=[
            bspec((16, N), lambda i: (i, 0)),
            bspec((16, N, RT), lambda i: (i, 0, 0)),
            bspec((16, N, 16), lambda i: (i, 0, 0)),
            bspec((16, N, 24), lambda i: (i, 0, 0)),
            bspec((16, 16), lambda i: (i, 0)),
        ],
        out_shape=out_shapes,
    )(nei4, egol, ego16, np_c(_M16), np_c(_YR16), np_c(_Ym16))


def np_c(a):
    return jnp.asarray(a)



_TL = np.tril(np.ones((1024, 1024), np.float32))


def _k6a_body(fm_ref, tl_ref, jflat_ref, cnt_ref, carry_ref):
    i = pl.program_id(0)

    @pl.when(i == 0)
    def _():
        carry_ref[0] = 0.0

    m = fm_ref[0].astype(jnp.float32)
    pfx = jnp.dot(tl_ref[...], m,
                  preferred_element_type=jnp.float32)
    carry = carry_ref[0]
    slots = pfx + carry - 1.0
    kio = lax.broadcasted_iota(jnp.int32, (1024, KP), 1).astype(jnp.float32)
    oh = jnp.where(kio == slots, 1.0, 0.0) * m
    rv = (lax.broadcasted_iota(jnp.int32, (1, 1024), 1).astype(jnp.float32)
          + jnp.float32(1024) * i.astype(jnp.float32))
    contrib = jnp.dot(rv, oh, preferred_element_type=jnp.float32)

    @pl.when(i == 0)
    def _():
        jflat_ref[...] = contrib

    @pl.when(i > 0)
    def _():
        jflat_ref[...] = jflat_ref[...] + contrib

    total = jnp.sum(m)
    carry_ref[0] = carry + total
    cnt_ref[0, 0] = carry + total


def _run_k6a(fmask_col):
    return pl.pallas_call(
        _k6a_body,
        grid=(4,),
        in_specs=[
            pl.BlockSpec((1, 1024, 1), lambda i: (i, 0, 0)),
            pl.BlockSpec((1024, 1024), lambda i: (0, 0)),
        ],
        out_specs=[
            pl.BlockSpec((1, KP), lambda i: (0, 0)),
            pl.BlockSpec(memory_space=pltpu.SMEM),
        ],
        out_shape=[
            jax.ShapeDtypeStruct((1, KP), jnp.float32),
            jax.ShapeDtypeStruct((1, 1), jnp.float32),
        ],
        scratch_shapes=[pltpu.SMEM((1,), jnp.float32)],
    )(fmask_col, np_c(_TL))


def _k6b_body(jf_ref, cnt_ref, out_ref):
    i = pl.program_id(0)
    jf = jf_ref[...]
    c = cnt_ref[0, 0]
    kv = lax.broadcasted_iota(jnp.int32, (1, KP), 1).astype(jnp.float32)
    keep = ((kv < c) & (jf != 0.0)) | (kv == KP - 1) | (c == KP)
    keepf = keep.astype(jnp.float32)
    jio = (lax.broadcasted_iota(jnp.int32, (1024, KP), 0).astype(jnp.float32)
           + jnp.float32(1024) * i.astype(jnp.float32))
    oh = jnp.where(jio == jf, 1.0, 0.0) * keepf
    ones_c = jnp.ones((KP, 1), jnp.float32)
    kvec_c = lax.broadcasted_iota(jnp.int32, (KP, 1), 0).astype(jnp.float32) + jnp.float32(ROWS)
    covered = jnp.dot(oh, ones_c, preferred_element_type=jnp.float32)
    contrib = jnp.dot(oh, kvec_c, preferred_element_type=jnp.float32)
    row = (lax.broadcasted_iota(jnp.int32, (1024, 1), 0).astype(jnp.float32)
           + jnp.float32(1024) * i.astype(jnp.float32))
    out_ref[0] = row * (1.0 - covered) + contrib


def _run_k6b(jflat_row, cnt):
    return pl.pallas_call(
        _k6b_body,
        grid=(4,),
        in_specs=[
            pl.BlockSpec((1, KP), lambda i: (0, 0)),
            pl.BlockSpec(memory_space=pltpu.SMEM),
        ],
        out_specs=pl.BlockSpec((1, 1024, 1), lambda i: (i, 0, 0)),
        out_shape=jax.ShapeDtypeStruct((4, 1024, 1), jnp.float32),
    )(jflat_row, cnt)




def _k2b_body(neim_hbm, neiyr_hbm, egom_hbm, jflat_hbm,
              xdn_hbm, yladd_hbm, xde_hbm,
              idx_v, idx0_v, bufm_v, bufy_v, bufe_v, sem):
    wid = lax.axis_index("s") * NC + lax.axis_index("c")
    nrow = KP // NW
    base = wid * nrow
    pltpu.sync_copy(jflat_hbm.at[pl.ds(base, nrow)], idx_v)
    pltpu.async_copy(neim_hbm.at[idx_v], bufm_v, sem).wait()
    pltpu.async_copy(neiyr_hbm.at[idx_v], bufy_v, sem).wait()

    def shft(i, carry):
        idx0_v[pl.ds(i * L, L)] = lax.shift_right_logical(
            idx_v[pl.ds(i * L, L)], 6)
        return carry

    lax.fori_loop(0, nrow // L, shft, 0)
    pltpu.async_copy(egom_hbm.at[idx0_v], bufe_v, sem).wait()
    pltpu.sync_copy(bufm_v, xdn_hbm.at[pl.ds(base, nrow)])
    pltpu.sync_copy(bufy_v, yladd_hbm.at[pl.ds(base, nrow)])
    pltpu.sync_copy(bufe_v, xde_hbm.at[pl.ds(base, nrow)])


def _run_k2b(neim, neiyr, egom, jflat):
    mesh = plsc.VectorSubcoreMesh(core_axis_name="c", subcore_axis_name="s", num_cores=NC, num_subcores=NS)
    nrow = KP // NW
    kfn = pl.kernel(
        _k2b_body,
        out_type=[
            jax.ShapeDtypeStruct((KP, 16), jnp.float32),
            jax.ShapeDtypeStruct((KP, 24), jnp.float32),
            jax.ShapeDtypeStruct((KP, 16), jnp.float32),
        ],
        mesh=mesh,
        scratch_types=[
            pltpu.VMEM((nrow,), jnp.int32),
            pltpu.VMEM((nrow,), jnp.int32),
            pltpu.VMEM((nrow, 16), jnp.float32),
            pltpu.VMEM((nrow, 24), jnp.float32),
            pltpu.VMEM((nrow, 16), jnp.float32),
            pltpu.SemaphoreType.DMA,
        ],
        compiler_params=pltpu.CompilerParams(use_tc_tiling_on_sc=False),
    )
    return kfn(neim, neiyr, egom, jflat)




def _k3_body(xde_ref, xdn_ref, ze_ref, zn_ref, yladd_ref,
             Wld_ref, bld_ref, Wenc_ref, benc_ref, Wn_ref, bn_ref,
             Wc1_ref, Wc2_ref, bc_ref, Wr1_ref, br1_ref, Wr2_ref, br2_ref,
             Wi1_ref, bi1_ref, Wi2_ref, bi2_ref, Wd_ref, bd24_ref,
             E1_ref, E2_ref, S1_ref, S2_ref, G_ref, out_ref):
    bf = jnp.bfloat16
    f32 = jnp.float32

    def bdot(a, b_ref):
        return jnp.dot(a.astype(bf), b_ref[...], preferred_element_type=f32)

    Wld = Wld_ref[...]
    bld = bld_ref[...]
    bn = bn_ref[...]
    bc = bc_ref[...]

    def mlp(xd, z):
        f = jnp.tanh(jnp.dot(xd, Wld, preferred_element_type=f32) + bld)
        h = f
        for l in range(5):
            h = jnp.maximum(bdot(h, Wenc_ref.at[l]) + benc_ref[l][None, :],
                            0.0)
        h = jnp.tanh(bdot(h, Wenc_ref.at[5]) + benc_ref[5][None, :])
        fz = jnp.tanh(bdot(z, Wn_ref) + bn)
        return jnp.tanh(bdot(h, Wc1_ref) + bdot(fz, Wc2_ref) + bc)

    f_ins = mlp(xde_ref[...], ze_ref[...])
    f_nei = mlp(xdn_ref[...], zn_ref[...])
    ins_k = bdot(jnp.maximum(bdot(f_ins, Wi1_ref) + bi1_ref[...], 0.0),
                 Wi2_ref) + bi2_ref[...]
    rev_k = bdot(jnp.maximum(bdot(f_nei, Wr1_ref) + br1_ref[...], 0.0),
                 Wr2_ref) + br2_ref[...]
    g = jnp.dot(f_nei, Wd_ref[...], preferred_element_type=f32)
    P = bdot(rev_k, E1_ref) * bdot(g, E2_ref)
    Bm = bdot(ins_k, S1_ref) * bdot(P, S2_ref)
    pred = jnp.dot(G_ref[...], Bm.astype(bf), preferred_element_type=f32)
    ytile = jnp.dot(yladd_ref[...] + bd24_ref[...], S2_ref[...].astype(f32),
                    preferred_element_type=f32)
    out_ref[...] = pred + ytile


def _run_k3(xde2, xdn2, ze2, zn2, yladd, wts):
    grid = (KP // _KBLK,)
    row_blk = _KBLK * T_H

    def full(shape):
        nd = len(shape)
        return pl.BlockSpec(shape, lambda i: (0,) * nd)

    in_specs = [
        pl.BlockSpec((row_blk, 2), lambda i: (i, 0)),
        pl.BlockSpec((row_blk, 2), lambda i: (i, 0)),
        pl.BlockSpec((row_blk, 32), lambda i: (i, 0)),
        pl.BlockSpec((row_blk, 32), lambda i: (i, 0)),
        pl.BlockSpec((_KBLK, 24), lambda i: (i, 0)),
    ] + [full(w.shape) for w in wts]
    return pl.pallas_call(
        _k3_body,
        grid=grid,
        in_specs=in_specs,
        out_specs=pl.BlockSpec((_KBLK, RT), lambda i: (i, 0)),
        out_shape=jax.ShapeDtypeStruct((KP, RT), jnp.float32),
    )(xde2, xdn2, ze2, zn2, yladd, *wts)




def _k4_body(t_hbm, idxsrc_hbm, y_hbm, idx_v, buf_v, sem):
    wid = lax.axis_index("s") * NC + lax.axis_index("c")
    nrow = ROWS // NW
    base = wid * nrow
    pltpu.sync_copy(idxsrc_hbm.at[pl.ds(base, nrow)], idx_v)
    pltpu.async_copy(t_hbm.at[idx_v], buf_v, sem).wait()
    pltpu.sync_copy(buf_v, y_hbm.at[pl.ds(base, nrow)])


def _run_k4(t_all, idxsrc):
    mesh = plsc.VectorSubcoreMesh(core_axis_name="c", subcore_axis_name="s", num_cores=NC, num_subcores=NS)
    nrow = ROWS // NW
    kfn = pl.kernel(
        _k4_body,
        out_type=jax.ShapeDtypeStruct((ROWS, RT), jnp.float32),
        mesh=mesh,
        scratch_types=[
            pltpu.VMEM((nrow,), jnp.int32),
            pltpu.VMEM((nrow, RT), jnp.float32),
            pltpu.SemaphoreType.DMA,
        ],
        compiler_params=pltpu.CompilerParams(use_tc_tiling_on_sc=False),
    )
    return kfn(t_all, idxsrc)




def kernel(ego_traj, nei_trajs, params):
    p = params
    nei4 = nei_trajs.reshape(B, N, 16)
    egol = ego_traj[:, -1, :]
    ego16 = ego_traj.reshape(B, 16)

    fmask, base3, neim3, neiyr3, egom = _run_k5(nei4, egol, ego16)

    jflat_f, cnt = _run_k6a(fmask.reshape(4, 1024, 1))
    idxsrc_f = _run_k6b(jflat_f, cnt)
    jflat = jflat_f.reshape(KP).astype(jnp.int32)
    idxsrc = idxsrc_f.reshape(ROWS).astype(jnp.int32)

    xdn_p, yladd_p, xde_p = _run_k2b(
        neim3.reshape(ROWS, 16), neiyr3.reshape(ROWS, 24), egom, jflat)

    z = jax.random.normal(jax.random.key(1), (2 * KP, T_H, 32),
                          dtype=jnp.float32)
    ze2 = z[:KP].reshape(KP * T_H, 32)
    zn2 = z[KP:].reshape(KP * T_H, 32)
    xde2 = xde_p.reshape(KP * T_H, 2)
    xdn2 = xdn_p.reshape(KP * T_H, 2)

    bd24 = jnp.tile(p['b_dec'], T_F)[None, :]
    bf = jnp.bfloat16
    wts = [
        p['W_ld'], p['b_ld'][None, :],
        jnp.stack(p['W_enc']).astype(bf), jnp.stack(p['b_enc']),
        p['W_noise'].astype(bf), p['b_noise'][None, :],
        p['W_cat'][:D].astype(bf), p['W_cat'][D:].astype(bf),
        p['b_cat'][None, :],
        p['W_rev1'].astype(bf), p['b_rev1'][None, :],
        p['W_rev2'].astype(bf), p['b_rev2'][None, :],
        p['W_ins1'].astype(bf), p['b_ins1'][None, :],
        p['W_ins2'].astype(bf), p['b_ins2'][None, :],
        p['W_dec'], bd24,
        np_c(_E1).astype(bf),
        np_c(_E2).astype(bf), np_c(_S1).astype(bf), np_c(_S2).astype(bf),
        np_c(_G).astype(bf),
    ]
    t_pred = _run_k3(xde2, xdn2, ze2, zn2, yladd_p, wts)

    t_all = jnp.concatenate([base3.reshape(ROWS, RT), t_pred], axis=0)
    y = _run_k4(t_all, idxsrc)
    return y.reshape(B, N, INSIGHTS, T_F, D_TRAJ)

# --- scband reference (transcript-rebuilt; emitter-appended) ---
"""Pipeline reference for scband-ego-predictor-83107617178295 (READ-ONLY COPY).

The authoritative reference and input builder live on the scoring server;
editing this copy changes nothing except your own understanding.
"""

import jax, jax.numpy as jnp
import numpy as np

B = 64; N = 64; T_H = 8; T_F = 12; D_TRAJ = 2; D = 256; INSIGHTS = 20; CAPACITY = 32


def _linear_fit(x, t_h, t_f):
    # Least-squares linear fit along the time axis (LinearLayerND equivalent).
    t = jnp.arange(t_h, dtype=jnp.float32)
    tm = t.mean()
    tv = jnp.sum((t - tm) ** 2)
    xm = jnp.mean(x, axis=-2, keepdims=True)
    slope = jnp.sum((t - tm)[:, None] * (x - xm), axis=-2, keepdims=True) / tv
    intercept = xm - slope * tm
    x_lin = slope * t[:, None] + intercept
    tf = jnp.arange(t_h, t_h + t_f, dtype=jnp.float32)
    y_lin = slope * tf[:, None] + intercept
    return x_lin, y_lin


def setup_inputs(seed: int = 0):
    key = jax.random.key(seed)
    ks = jax.random.split(key, 32)
    ego_traj = jax.random.normal(ks[0], (B, T_H, D_TRAJ), dtype=jnp.float32)
    nei_trajs = jax.random.normal(ks[1], (B, N, T_H, D_TRAJ), dtype=jnp.float32)

    def mk(k, shape):
        return jax.random.normal(k, shape, dtype=jnp.float32) * (1.0 / np.sqrt(shape[0]))

    params = {
        'W_ld': mk(ks[2], (D_TRAJ, D)), 'b_ld': jnp.zeros((D,), jnp.float32),
        'W_enc': [mk(ks[3 + i], (D, D)) for i in range(6)],
        'b_enc': [jnp.zeros((D,), jnp.float32) for _ in range(6)],
        'W_noise': mk(ks[10], (32, D)), 'b_noise': jnp.zeros((D,), jnp.float32),
        'W_cat': mk(ks[11], (2 * D, D)), 'b_cat': jnp.zeros((D,), jnp.float32),
        'W_rev1': mk(ks[12], (D, D)), 'b_rev1': jnp.zeros((D,), jnp.float32),
        'W_rev2': mk(ks[13], (D, T_F)), 'b_rev2': jnp.zeros((T_F,), jnp.float32),
        'W_ins1': mk(ks[14], (D, D)), 'b_ins1': jnp.zeros((D,), jnp.float32),
        'W_ins2': mk(ks[15], (D, INSIGHTS)), 'b_ins2': jnp.zeros((INSIGHTS,), jnp.float32),
        'W_dec': mk(ks[16], (D, D_TRAJ)), 'b_dec': jnp.zeros((D_TRAJ,), jnp.float32),
    }
    return {'ego_traj': ego_traj, 'nei_trajs': nei_trajs, 'params': params}


def _forward(ego, nei, p):
    _x_ego = jnp.broadcast_to(ego[:, None], (B, N, T_H, D_TRAJ))
    _x = jnp.concatenate([_x_ego, nei], axis=-2)  # [B, N, 2*T_H, D_TRAJ]
    valid_mask = (jnp.sum(jnp.abs(nei), axis=(-1, -2)) > 0.05).astype(jnp.float32)
    # capacity top-k: keep the CAPACITY nearest neighbors at the last observed frame
    dist = jnp.linalg.norm(ego[:, -1:, :] - nei[:, :, -1, :], axis=-1)  # [B, N]
    _, idx = jax.lax.top_k(-dist, CAPACITY)
    cap_mask = jnp.zeros_like(dist).at[jnp.arange(B)[:, None], idx].set(1.0)
    final_mask = valid_mask * cap_mask
    i0, i1 = jnp.nonzero(final_mask, size=B * CAPACITY)
    x_picked = _x[i0, i1]  # [b, 2*T_H, D_TRAJ]
    b = B * CAPACITY
    xe = x_picked[:, :T_H, :]
    xn = x_picked[:, T_H:, :]
    x_packed = jnp.concatenate([xe, xn], axis=0)  # [2b, T_H, D_TRAJ]
    ref = x_packed[:, -1:, :]
    x_packed = x_packed - ref
    # LinearDiffEncoding
    x_lin, y_lin = _linear_fit(x_packed, T_H, T_F)
    x_diff = x_packed - x_lin
    f = jnp.tanh(x_diff @ p['W_ld'] + p['b_ld'])  # [2b, T_H, D]
    # 'fc' backbone: 5x ReLU Dense + 1x Tanh Dense
    h = f
    for i in range(5):
        h = jax.nn.relu(h @ p['W_enc'][i] + p['b_enc'][i])
    h = jnp.tanh(h @ p['W_enc'][5] + p['b_enc'][5])
    z = jax.random.normal(jax.random.key(1), (2 * b, T_H, 32), dtype=jnp.float32)
    f_z = jnp.tanh(z @ p['W_noise'] + p['b_noise'])
    f_final = jnp.tanh(jnp.concatenate([h, f_z], axis=-1) @ p['W_cat'] + p['b_cat'])
    f_ins = f_final[:b]
    f_nei = f_final[b:]
    # KernelLayer: Dense(d->d, relu) -> Dense(d->out)
    rev_k = jax.nn.relu(f_nei @ p['W_rev1'] + p['b_rev1']) @ p['W_rev2'] + p['b_rev2']  # [b, T_H, T_F]
    ins_k = jax.nn.relu(f_ins @ p['W_ins1'] + p['b_ins1']) @ p['W_ins2'] + p['b_ins2']  # [b, T_H, INSIGHTS]
    # ReverberationTransform
    f_rev = jnp.einsum('bti,btf,btd->bifd', ins_k, rev_k, f_nei)  # [b, INSIGHTS, T_F, D]
    pred = f_rev @ p['W_dec'] + p['b_dec']  # [b, INSIGHTS, T_F, D_TRAJ]
    pred = pred + ref[b:, None, :, :] + y_lin[b:, None, :, :]
    # linear baseline for all neighbors, then scatter predictions for picked ones
    _, y_base = _linear_fit(nei, T_H, T_F)  # [B, N, T_F, D_TRAJ]
    y = jnp.broadcast_to(y_base[:, :, None], (B, N, INSIGHTS, T_F, D_TRAJ))
    y = y.at[i0, i1].set(pred)
    return y


def reference(ego_traj, nei_trajs, params):
    return _forward(ego_traj, nei_trajs, params)

if __name__ == "__main__":
    import jax
    _d = setup_inputs()
    print(jax.jit(kernel)(*tuple(_d.values())))

</pallas_src>

<mosaic_0001>
#map = affine_map<(d0, d1) -> (0, 0)>
#map1 = affine_map<(d0, d1) -> (0)>
module attributes {stable_mosaic.version = 14 : i64} {
  func.func @_k4_body(%arg0: i32, %arg1: i32, %arg2: memref<6144x480xf32, #tpu.memory_space<hbm>>, %arg3: memref<4096xi32, #tpu.memory_space<hbm>>, %arg4: memref<4096x480xf32, #tpu.memory_space<hbm>>, %arg5: memref<128xi32, #tpu.memory_space<vmem>>, %arg6: memref<128x480xf32, #tpu.memory_space<vmem>>, %arg7: memref<!tpu.dma_semaphore, #tpu.memory_space<semaphore_mem>>) attributes {dimension_semantics = [#tpu.dimension_semantics<core_parallel>, #tpu.dimension_semantics<subcore_parallel>], iteration_bounds = array<i64: 2, 16>, scalar_prefetch = 0 : i64, scratch_operands = 3 : i64, tpu.core_type = #tpu.core_type<sc_vector_subcore>, window_params = [{transform_indices = #map}, {transform_indices = #map1}, {transform_indices = #map}]} {
    %mul3A = arith.constant 2 : i32
    %mul3A_0 = arith.muli %arg1, %mul3A : i32
    %add3A = arith.addi %mul3A_0, %arg0 : i32
    %mul3A_1 = arith.constant 128 : i32
    %mul3A_2 = arith.muli %add3A, %mul3A_1 : i32
    "tpu.region"() ({
      %run_scoped3A = tpu.sem_alloc : memref<!tpu.dma_semaphore, #tpu.memory_space<semaphore_mem>>
      %dma_start3A_7 = tpu.memref_slice %arg3[%mul3A_2] : memref<4096xi32, #tpu.memory_space<hbm>> -> memref<128xi32, #tpu.memory_space<hbm>>
      %dma_start3A_8 = tpu.memref_slice %arg3[%mul3A_2] : memref<4096xi32, #tpu.memory_space<hbm>> -> memref<128xi32, #tpu.memory_space<hbm>>
      tpu.enqueue_dma source(%dma_start3A_8 : memref<128xi32, #tpu.memory_space<hbm>>) target(%arg5 : memref<128xi32, #tpu.memory_space<vmem>>) target_semaphore(%run_scoped3A : memref<!tpu.dma_semaphore, #tpu.memory_space<semaphore_mem>>)
      %dma_wait3A_9 = tpu.memref_slice %arg3[%mul3A_2] : memref<4096xi32, #tpu.memory_space<hbm>> -> memref<128xi32, #tpu.memory_space<hbm>>
      %dma_wait3A_10 = tpu.memref_slice %arg3[%mul3A_2] : memref<4096xi32, #tpu.memory_space<hbm>> -> memref<128xi32, #tpu.memory_space<hbm>>
      tpu.wait_dma2 semaphore(%run_scoped3A : memref<!tpu.dma_semaphore, #tpu.memory_space<semaphore_mem>>) src(%dma_wait3A_10 : memref<128xi32, #tpu.memory_space<hbm>>) dst(%arg5 : memref<128xi32, #tpu.memory_space<vmem>>)
      tpu.yield
    }) : () -> ()
    %dma_start3A = arith.constant 0 : i32
    %dma_start3A_3 = arith.constant 0 : i32
    %dma_start3A_4 = tpu.memref_slice %arg2[%dma_start3A, %dma_start3A_3] : memref<6144x480xf32, #tpu.memory_space<hbm>> -> memref<6144x480xf32, #tpu.memory_space<hbm>>
    tpu.enqueue_indirect_dma source(%dma_start3A_4 : memref<6144x480xf32, #tpu.memory_space<hbm>>) target(%arg6 : memref<128x480xf32, #tpu.memory_space<vmem>>) offsets(%arg5 : memref<128xi32, #tpu.memory_space<vmem>>) semaphore(%arg7 : memref<!tpu.dma_semaphore, #tpu.memory_space<semaphore_mem>>)
    %dma_wait3A = arith.constant 0 : i32
    %dma_wait3A_5 = arith.constant 0 : i32
    %dma_wait3A_6 = tpu.memref_slice %arg2[%dma_wait3A, %dma_wait3A_5] : memref<6144x480xf32, #tpu.memory_space<hbm>> -> memref<6144x480xf32, #tpu.memory_space<hbm>>
    tpu.wait_indirect_dma semaphore(%arg7 : memref<!tpu.dma_semaphore, #tpu.memory_space<semaphore_mem>>) src(%dma_wait3A_6 : memref<6144x480xf32, #tpu.memory_space<hbm>>) dst(%arg6 : memref<128x480xf32, #tpu.memory_space<vmem>>)
    "tpu.region"() ({
      %run_scoped3A = tpu.sem_alloc : memref<!tpu.dma_semaphore, #tpu.memory_space<semaphore_mem>>
      %dma_start3A_7 = arith.constant 0 : i32
      %dma_start3A_8 = tpu.memref_slice %arg4[%mul3A_2, %dma_start3A_7] : memref<4096x480xf32, #tpu.memory_space<hbm>> -> memref<128x480xf32, #tpu.memory_space<hbm>>
      %dma_start3A_9 = arith.constant 0 : i32
      %dma_start3A_10 = tpu.memref_slice %arg4[%mul3A_2, %dma_start3A_9] : memref<4096x480xf32, #tpu.memory_space<hbm>> -> memref<128x480xf32, #tpu.memory_space<hbm>>
      tpu.enqueue_dma source(%arg6 : memref<128x480xf32, #tpu.memory_space<vmem>>) target(%dma_start3A_10 : memref<128x480xf32, #tpu.memory_space<hbm>>) target_semaphore(%run_scoped3A : memref<!tpu.dma_semaphore, #tpu.memory_space<semaphore_mem>>)
      %dma_wait3A_11 = arith.constant 0 : i32
      %dma_wait3A_12 = tpu.memref_slice %arg4[%mul3A_2, %dma_wait3A_11] : memref<4096x480xf32, #tpu.memory_space<hbm>> -> memref<128x480xf32, #tpu.memory_space<hbm>>
      %dma_wait3A_13 = arith.constant 0 : i32
      %dma_wait3A_14 = tpu.memref_slice %arg4[%mul3A_2, %dma_wait3A_13] : memref<4096x480xf32, #tpu.memory_space<hbm>> -> memref<128x480xf32, #tpu.memory_space<hbm>>
      tpu.wait_dma2 semaphore(%run_scoped3A : memref<!tpu.dma_semaphore, #tpu.memory_space<semaphore_mem>>) src(%arg6 : memref<128x480xf32, #tpu.memory_space<vmem>>) dst(%dma_wait3A_14 : memref<128x480xf32, #tpu.memory_space<hbm>>)
      tpu.yield
    }) : () -> ()
    return
  }
}

#map = affine_map<(d0, d1) -> (0, 0)>
#map1 = affine_map<(d0, d1) -> (0)>
module attributes {stable_mosaic.version = 14 : i64} {
  func.func @_k2b_body(%arg0: i32, %arg1: i32, %arg2: memref<4096x16xf32, #tpu.memory_space<hbm>>, %arg3: memref<4096x24xf32, #tpu.memory_space<hbm>>, %arg4: memref<64x16xf32, #tpu.memory_space<hbm>>, %arg5: memref<2048xi32, #tpu.memory_space<hbm>>, %arg6: memref<2048x16xf32, #tpu.memory_space<hbm>>, %arg7: memref<2048x24xf32, #tpu.memory_space<hbm>>, %arg8: memref<2048x16xf32, #tpu.memory_space<hbm>>, %arg9: memref<64xi32, #tpu.memory_space<vmem>>, %arg10: memref<64xi32, #tpu.memory_space<vmem>>, %arg11: memref<64x16xf32, #tpu.memory_space<vmem>>, %arg12: memref<64x24xf32, #tpu.memory_space<vmem>>, %arg13: memref<64x16xf32, #tpu.memory_space<vmem>>, %arg14: memref<!tpu.dma_semaphore, #tpu.memory_space<semaphore_mem>>) attributes {dimension_semantics = [#tpu.dimension_semantics<core_parallel>, #tpu.dimension_semantics<subcore_parallel>], iteration_bounds = array<i64: 2, 16>, scalar_prefetch = 0 : i64, scratch_operands = 6 : i64, tpu.core_type = #tpu.core_type<sc_vector_subcore>, window_params = [{transform_indices = #map}, {transform_indices = #map}, {transform_indices = #map}, {transform_indices = #map1}, {transform_indices = #map}, {transform_indices = #map}, {transform_indices = #map}]} {
    %mul3A = arith.constant 2 : i32
    %mul3A_0 = arith.muli %arg1, %mul3A : i32
    %add3A = arith.addi %mul3A_0, %arg0 : i32
    %mul3A_1 = arith.constant 64 : i32
    %mul3A_2 = arith.muli %add3A, %mul3A_1 : i32
    "tpu.region"() ({
      %run_scoped3A = tpu.sem_alloc : memref<!tpu.dma_semaphore, #tpu.memory_space<semaphore_mem>>
      %dma_start3A_24 = tpu.memref_slice %arg5[%mul3A_2] : memref<2048xi32, #tpu.memory_space<hbm>> -> memref<64xi32, #tpu.memory_space<hbm>>
      %dma_start3A_25 = tpu.memref_slice %arg5[%mul3A_2] : memref<2048xi32, #tpu.memory_space<hbm>> -> memref<64xi32, #tpu.memory_space<hbm>>
      tpu.enqueue_dma source(%dma_start3A_25 : memref<64xi32, #tpu.memory_space<hbm>>) target(%arg9 : memref<64xi32, #tpu.memory_space<vmem>>) target_semaphore(%run_scoped3A : memref<!tpu.dma_semaphore, #tpu.memory_space<semaphore_mem>>)
      %dma_wait3A_26 = tpu.memref_slice %arg5[%mul3A_2] : memref<2048xi32, #tpu.memory_space<hbm>> -> memref<64xi32, #tpu.memory_space<hbm>>
      %dma_wait3A_27 = tpu.memref_slice %arg5[%mul3A_2] : memref<2048xi32, #tpu.memory_space<hbm>> -> memref<64xi32, #tpu.memory_space<hbm>>
      tpu.wait_dma2 semaphore(%run_scoped3A : memref<!tpu.dma_semaphore, #tpu.memory_space<semaphore_mem>>) src(%dma_wait3A_27 : memref<64xi32, #tpu.memory_space<hbm>>) dst(%arg9 : memref<64xi32, #tpu.memory_space<vmem>>)
      tpu.yield
    }) : () -> ()
    %dma_start3A = arith.constant 0 : i32
    %dma_start3A_3 = arith.constant 0 : i32
    %dma_start3A_4 = tpu.memref_slice %arg2[%dma_start3A, %dma_start3A_3] : memref<4096x16xf32, #tpu.memory_space<hbm>> -> memref<4096x16xf32, #tpu.memory_space<hbm>>
    tpu.enqueue_indirect_dma source(%dma_start3A_4 : memref<4096x16xf32, #tpu.memory_space<hbm>>) target(%arg11 : memref<64x16xf32, #tpu.memory_space<vmem>>) offsets(%arg9 : memref<64xi32, #tpu.memory_space<vmem>>) semaphore(%arg14 : memref<!tpu.dma_semaphore, #tpu.memory_space<semaphore_mem>>)
    %dma_wait3A = arith.constant 0 : i32
    %dma_wait3A_5 = arith.constant 0 : i32
    %dma_wait3A_6 = tpu.memref_slice %arg2[%dma_wait3A, %dma_wait3A_5] : memref<4096x16xf32, #tpu.memory_space<hbm>> -> memref<4096x16xf32, #tpu.memory_space<hbm>>
    tpu.wait_indirect_dma semaphore(%arg14 : memref<!tpu.dma_semaphore, #tpu.memory_space<semaphore_mem>>) src(%dma_wait3A_6 : memref<4096x16xf32, #tpu.memory_space<hbm>>) dst(%arg11 : memref<64x16xf32, #tpu.memory_space<vmem>>)
    %dma_start3A_7 = arith.constant 0 : i32
    %dma_start3A_8 = arith.constant 0 : i32
    %dma_start3A_9 = tpu.memref_slice %arg3[%dma_start3A_7, %dma_start3A_8] : memref<4096x24xf32, #tpu.memory_space<hbm>> -> memref<4096x24xf32, #tpu.memory_space<hbm>>
    tpu.enqueue_indirect_dma source(%dma_start3A_9 : memref<4096x24xf32, #tpu.memory_space<hbm>>) target(%arg12 : memref<64x24xf32, #tpu.memory_space<vmem>>) offsets(%arg9 : memref<64xi32, #tpu.memory_space<vmem>>) semaphore(%arg14 : memref<!tpu.dma_semaphore, #tpu.memory_space<semaphore_mem>>)
    %dma_wait3A_10 = arith.constant 0 : i32
    %dma_wait3A_11 = arith.constant 0 : i32
    %dma_wait3A_12 = tpu.memref_slice %arg3[%dma_wait3A_10, %dma_wait3A_11] : memref<4096x24xf32, #tpu.memory_space<hbm>> -> memref<4096x24xf32, #tpu.memory_space<hbm>>
    tpu.wait_indirect_dma semaphore(%arg14 : memref<!tpu.dma_semaphore, #tpu.memory_space<semaphore_mem>>) src(%dma_wait3A_12 : memref<4096x24xf32, #tpu.memory_space<hbm>>) dst(%arg12 : memref<64x24xf32, #tpu.memory_space<vmem>>)
    %scan3A = arith.constant 0 : i32
    %scan3A_13 = arith.constant 0 : i32
    %scan3A_14 = arith.constant 4 : i32
    %scan3A_15 = arith.addi %scan3A_13, %scan3A_14 : i32
    %scan3A_16 = arith.constant 1 : i32
    scf.for %scan3A_24 = %scan3A_13 to %scan3A_15 step %scan3A_16  : i32 {
      %mul3A_25 = arith.constant 16 : i32
      %mul3A_26 = arith.muli %scan3A_24, %mul3A_25 : i32
      %get3A = arith.index_cast %mul3A_26 : i32 to index
      %get3A_27 = tpu.vector_load %arg9[%get3A] {strides = array<i32>} : memref<64xi32, #tpu.memory_space<vmem>>, vector<16xi32>,
      %get3A_28 = vector.shape_cast %get3A_27 : vector<16xi32> to vector<16xi32>
      %shift_right_logical3A = arith.constant 6 : i32
      %shift_right_logical3A_29 = vector.broadcast %shift_right_logical3A : i32 to vector<16xi32>
      %shift_right_logical3A_30 = arith.shrui %get3A_28, %shift_right_logical3A_29 : vector<16xi32>
      %mul3A_31 = arith.constant 16 : i32
      %mul3A_32 = arith.muli %scan3A_24, %mul3A_31 : i32
      %swap3A = arith.index_cast %mul3A_32 : i32 to index
      %swap3A_33 = tpu.vector_load %arg10[%swap3A] {strides = array<i32>} : memref<64xi32, #tpu.memory_space<vmem>>, vector<16xi32>,
      %swap3A_34 = vector.shape_cast %swap3A_33 : vector<16xi32> to vector<16xi32>
      %swap3A_35 = vector.shape_cast %shift_right_logical3A_30 : vector<16xi32> to vector<16xi32>
      tpu.vector_store %arg10[%swap3A], %swap3A_35 {strides = array<i32>} : memref<64xi32, #tpu.memory_space<vmem>>, vector<16xi32>,
    }
    %scan3A_17 = arith.constant 4 : i32
    %dma_start3A_18 = arith.constant 0 : i32
    %dma_start3A_19 = arith.constant 0 : i32
    %dma_start3A_20 = tpu.memref_slice %arg4[%dma_start3A_18, %dma_start3A_19] : memref<64x16xf32, #tpu.memory_space<hbm>> -> memref<64x16xf32, #tpu.memory_space<hbm>>
    tpu.enqueue_indirect_dma source(%dma_start3A_20 : memref<64x16xf32, #tpu.memory_space<hbm>>) target(%arg13 : memref<64x16xf32, #tpu.memory_space<vmem>>) offsets(%arg10 : memref<64xi32, #tpu.memory_space<vmem>>) semaphore(%arg14 : memref<!tpu.dma_semaphore, #tpu.memory_space<semaphore_mem>>)
    %dma_wait3A_21 = arith.constant 0 : i32
    %dma_wait3A_22 = arith.constant 0 : i32
    %dma_wait3A_23 = tpu.memref_slice %arg4[%dma_wait3A_21, %dma_wait3A_22] : memref<64x16xf32, #tpu.memory_space<hbm>> -> memref<64x16xf32, #tpu.memory_space<hbm>>
    tpu.wait_indirect_dma semaphore(%arg14 : memref<!tpu.dma_semaphore, #tpu.memory_space<semaphore_mem>>) src(%dma_wait3A_23 : memref<64x16xf32, #tpu.memory_space<hbm>>) dst(%arg13 : memref<64x16xf32, #tpu.memory_space<vmem>>)
    "tpu.region"() ({
      %run_scoped3A = tpu.sem_alloc : memref<!tpu.dma_semaphore, #tpu.memory_space<semaphore_mem>>
      %dma_start3A_24 = arith.constant 0 : i32
      %dma_start3A_25 = tpu.memref_slice %arg6[%mul3A_2, %dma_start3A_24] : memref<2048x16xf32, #tpu.memory_space<hbm>> -> memref<64x16xf32, #tpu.memory_space<hbm>>
      %dma_start3A_26 = arith.constant 0 : i32
      %dma_start3A_27 = tpu.memref_slice %arg6[%mul3A_2, %dma_start3A_26] : memref<2048x16xf32, #tpu.memory_space<hbm>> -> memref<64x16xf32, #tpu.memory_space<hbm>>
      tpu.enqueue_dma source(%arg11 : memref<64x16xf32, #tpu.memory_space<vmem>>) target(%dma_start3A_27 : memref<64x16xf32, #tpu.memory_space<hbm>>) target_semaphore(%run_scoped3A : memref<!tpu.dma_semaphore, #tpu.memory_space<semaphore_mem>>)
      %dma_wait3A_28 = arith.constant 0 : i32
      %dma_wait3A_29 = tpu.memref_slice %arg6[%mul3A_2, %dma_wait3A_28] : memref<2048x16xf32, #tpu.memory_space<hbm>> -> memref<64x16xf32, #tpu.memory_space<hbm>>
      %dma_wait3A_30 = arith.constant 0 : i32
      %dma_wait3A_31 = tpu.memref_slice %arg6[%mul3A_2, %dma_wait3A_30] : memref<2048x16xf32, #tpu.memory_space<hbm>> -> memref<64x16xf32, #tpu.memory_space<hbm>>
      tpu.wait_dma2 semaphore(%run_scoped3A : memref<!tpu.dma_semaphore, #tpu.memory_space<semaphore_mem>>) src(%arg11 : memref<64x16xf32, #tpu.memory_space<vmem>>) dst(%dma_wait3A_31 : memref<64x16xf32, #tpu.memory_space<hbm>>)
      tpu.yield
    }) : () -> ()
    "tpu.region"() ({
      %run_scoped3A = tpu.sem_alloc : memref<!tpu.dma_semaphore, #tpu.memory_space<semaphore_mem>>
      %dma_start3A_24 = arith.constant 0 : i32
      %dma_start3A_25 = tpu.memref_slice %arg7[%mul3A_2, %dma_start3A_24] : memref<2048x24xf32, #tpu.memory_space<hbm>> -> memref<64x24xf32, #tpu.memory_space<hbm>>
      %dma_start3A_26 = arith.constant 0 : i32
      %dma_start3A_27 = tpu.memref_slice %arg7[%mul3A_2, %dma_start3A_26] : memref<2048x24xf32, #tpu.memory_space<hbm>> -> memref<64x24xf32, #tpu.memory_space<hbm>>
      tpu.enqueue_dma source(%arg12 : memref<64x24xf32, #tpu.memory_space<vmem>>) target(%dma_start3A_27 : memref<64x24xf32, #tpu.memory_space<hbm>>) target_semaphore(%run_scoped3A : memref<!tpu.dma_semaphore, #tpu.memory_space<semaphore_mem>>)
      %dma_wait3A_28 = arith.constant 0 : i32
      %dma_wait3A_29 = tpu.memref_slice %arg7[%mul3A_2, %dma_wait3A_28] : memref<2048x24xf32, #tpu.memory_space<hbm>> -> memref<64x24xf32, #tpu.memory_space<hbm>>
      %dma_wait3A_30 = arith.constant 0 : i32
      %dma_wait3A_31 = tpu.memref_slice %arg7[%mul3A_2, %dma_wait3A_30] : memref<2048x24xf32, #tpu.memory_space<hbm>> -> memref<64x24xf32, #tpu.memory_space<hbm>>
      tpu.wait_dma2 semaphore(%run_scoped3A : memref<!tpu.dma_semaphore, #tpu.memory_space<semaphore_mem>>) src(%arg12 : memref<64x24xf32, #tpu.memory_space<vmem>>) dst(%dma_wait3A_31 : memref<64x24xf32, #tpu.memory_space<hbm>>)
      tpu.yield
    }) : () -> ()
    "tpu.region"() ({
      %run_scoped3A = tpu.sem_alloc : memref<!tpu.dma_semaphore, #tpu.memory_space<semaphore_mem>>
      %dma_start3A_24 = arith.constant 0 : i32
      %dma_start3A_25 = tpu.memref_slice %arg8[%mul3A_2, %dma_start3A_24] : memref<2048x16xf32, #tpu.memory_space<hbm>> -> memref<64x16xf32, #tpu.memory_space<hbm>>
      %dma_start3A_26 = arith.constant 0 : i32
      %dma_start3A_27 = tpu.memref_slice %arg8[%mul3A_2, %dma_start3A_26] : memref<2048x16xf32, #tpu.memory_space<hbm>> -> memref<64x16xf32, #tpu.memory_space<hbm>>
      tpu.enqueue_dma source(%arg13 : memref<64x16xf32, #tpu.memory_space<vmem>>) target(%dma_start3A_27 : memref<64x16xf32, #tpu.memory_space<hbm>>) target_semaphore(%run_scoped3A : memref<!tpu.dma_semaphore, #tpu.memory_space<semaphore_mem>>)
      %dma_wait3A_28 = arith.constant 0 : i32
      %dma_wait3A_29 = tpu.memref_slice %arg8[%mul3A_2, %dma_wait3A_28] : memref<2048x16xf32, #tpu.memory_space<hbm>> -> memref<64x16xf32, #tpu.memory_space<hbm>>
      %dma_wait3A_30 = arith.constant 0 : i32
      %dma_wait3A_31 = tpu.memref_slice %arg8[%mul3A_2, %dma_wait3A_30] : memref<2048x16xf32, #tpu.memory_space<hbm>> -> memref<64x16xf32, #tpu.memory_space<hbm>>
      tpu.wait_dma2 semaphore(%run_scoped3A : memref<!tpu.dma_semaphore, #tpu.memory_space<semaphore_mem>>) src(%arg13 : memref<64x16xf32, #tpu.memory_space<vmem>>) dst(%dma_wait3A_31 : memref<64x16xf32, #tpu.memory_space<hbm>>)
      tpu.yield
    }) : () -> ()
    return
  }
}

module attributes {stable_mosaic.version = 14 : i64} {
  func.func @_k5_body(%arg0: i32, %arg1: memref<16x64x16xf32, #tpu.memory_space<vmem>>, %arg2: memref<16x2xf32, #tpu.memory_space<vmem>>, %arg3: memref<16x16xf32, #tpu.memory_space<vmem>>, %arg4: memref<16x16xf32, #tpu.memory_space<vmem>>, %arg5: memref<16x24xf32, #tpu.memory_space<vmem>>, %arg6: memref<16x24xf32, #tpu.memory_space<vmem>>, %arg7: memref<16x64xi32, #tpu.memory_space<vmem>>, %arg8: memref<16x64x480xf32, #tpu.memory_space<vmem>>, %arg9: memref<16x64x16xf32, #tpu.memory_space<vmem>>, %arg10: memref<16x64x24xf32, #tpu.memory_space<vmem>>, %arg11: memref<16x16xf32, #tpu.memory_space<vmem>>) attributes {dimension_semantics = [#tpu.dimension_semantics<arbitrary>], iteration_bounds = array<i64: 4>, scalar_prefetch = 0 : i64, scratch_operands = 0 : i64, tpu.core_type = #tpu.core_type<tc>, window_params = [{transform_indices = @transform_0, window_bounds = array<i64: 16, 64, 16>}, {transform_indices = @transform_1, window_bounds = array<i64: 16, 2>}, {transform_indices = @transform_2, window_bounds = array<i64: 16, 16>}, {pipeline_mode = #tpu.pipeline_mode<synchronous>, transform_indices = @transform_3, window_bounds = array<i64: 16, 16>}, {pipeline_mode = #tpu.pipeline_mode<synchronous>, transform_indices = @transform_4, window_bounds = array<i64: 16, 24>}, {pipeline_mode = #tpu.pipeline_mode<synchronous>, transform_indices = @transform_5, window_bounds = array<i64: 16, 24>}, {transform_indices = @transform_6, window_bounds = array<i64: 16, 64>}, {transform_indices = @transform_7, window_bounds = array<i64: 16, 64, 480>}, {transform_indices = @transform_8, window_bounds = array<i64: 16, 64, 16>}, {transform_indices = @transform_9, window_bounds = array<i64: 16, 64, 24>}, {transform_indices = @transform_10, window_bounds = array<i64: 16, 16>}]} {
    %get3A = arith.constant 0 : index
    %get3A_0 = arith.constant 0 : index
    %get3A_1 = arith.constant 0 : index
    %get3A_2 = vector.load %arg1[%get3A, %get3A_0, %get3A_1] : memref<16x64x16xf32, #tpu.memory_space<vmem>>, vector<16x64x16xf32>
    %get3A_3 = arith.constant 0 : index
    %get3A_4 = arith.constant 0 : index
    %get3A_5 = vector.load %arg2[%get3A_3, %get3A_4] : memref<16x2xf32, #tpu.memory_space<vmem>>, vector<16x2xf32>
    %slice3A = vector.extract_strided_slice %get3A_2 {offsets = [0, 0, 14], sizes = [16, 64, 1], strides = [1, 1, 1]} : vector<16x64x16xf32> to vector<16x64x1xf32>
    %squeeze3A = vector.shape_cast %slice3A : vector<16x64x1xf32> to vector<16x64xf32>
    %slice3A_6 = vector.extract_strided_slice %get3A_5 {offsets = [0, 0], sizes = [16, 1], strides = [1, 1]} : vector<16x2xf32> to vector<16x1xf32>
    %squeeze3A_7 = vector.shape_cast %slice3A_6 : vector<16x1xf32> to vector<16xf32>
    %broadcast_in_dim3A = vector.shape_cast %squeeze3A_7 : vector<16xf32> to vector<16x1xf32>
    %sub3A = vector.broadcast %broadcast_in_dim3A : vector<16x1xf32> to vector<16x64xf32>
    %sub3A_8 = arith.subf %squeeze3A, %sub3A : vector<16x64xf32>
    %slice3A_9 = vector.extract_strided_slice %get3A_2 {offsets = [0, 0, 15], sizes = [16, 64, 1], strides = [1, 1, 1]} : vector<16x64x16xf32> to vector<16x64x1xf32>
    %squeeze3A_10 = vector.shape_cast %slice3A_9 : vector<16x64x1xf32> to vector<16x64xf32>
    %slice3A_11 = vector.extract_strided_slice %get3A_5 {offsets = [0, 1], sizes = [16, 1], strides = [1, 1]} : vector<16x2xf32> to vector<16x1xf32>
    %squeeze3A_12 = vector.shape_cast %slice3A_11 : vector<16x1xf32> to vector<16xf32>
    %broadcast_in_dim3A_13 = vector.shape_cast %squeeze3A_12 : vector<16xf32> to vector<16x1xf32>
    %sub3A_14 = vector.broadcast %broadcast_in_dim3A_13 : vector<16x1xf32> to vector<16x64xf32>
    %sub3A_15 = arith.subf %squeeze3A_10, %sub3A_14 : vector<16x64xf32>
    %mul3A = arith.mulf %sub3A_8, %sub3A_8 : vector<16x64xf32>
    %mul3A_16 = arith.mulf %sub3A_15, %sub3A_15 : vector<16x64xf32>
    %add3A = arith.addf %mul3A, %mul3A_16 : vector<16x64xf32>
    %sqrt3A = math.sqrt %add3A : vector<16x64xf32>
    %abs3A = math.absf %get3A_2 : vector<16x64x16xf32>
    %reduce_sum3A = arith.constant dense<0.000000e+00> : vector<16x64xf32>
    %reduce_sum3A_17 = vector.multi_reduction <add>, %abs3A, %reduce_sum3A [2] : vector<16x64x16xf32> to vector<16x64xf32>
    %gt3A = arith.constant 5.000000e-02 : f32
    %gt3A_18 = vector.broadcast %gt3A : f32 to vector<16x64xf32>
    %gt3A_19 = arith.cmpf ogt, %reduce_sum3A_17, %gt3A_18 : vector<16x64xf32>
    %broadcast_in_dim3A_20 = vector.shape_cast %sqrt3A : vector<16x64xf32> to vector<16x64x1xf32>
    %broadcast_in_dim3A_21 = vector.shape_cast %sqrt3A : vector<16x64xf32> to vector<16x1x64xf32>
    %iota3A = tpu.iota {dimensions = array<i32: 2>} : vector<16x64x64xi32>
    %iota3A_22 = tpu.iota {dimensions = array<i32: 1>} : vector<16x64x64xi32>
    %lt3A = vector.broadcast %broadcast_in_dim3A_21 : vector<16x1x64xf32> to vector<16x64x64xf32>
    %lt3A_23 = vector.broadcast %broadcast_in_dim3A_20 : vector<16x64x1xf32> to vector<16x64x64xf32>
    %lt3A_24 = arith.cmpf olt, %lt3A, %lt3A_23 : vector<16x64x64xf32>
    %eq3A = vector.broadcast %broadcast_in_dim3A_21 : vector<16x1x64xf32> to vector<16x64x64xf32>
    %eq3A_25 = vector.broadcast %broadcast_in_dim3A_20 : vector<16x64x1xf32> to vector<16x64x64xf32>
    %eq3A_26 = arith.cmpf oeq, %eq3A, %eq3A_25 : vector<16x64x64xf32>
    %lt3A_27 = arith.cmpi slt, %iota3A, %iota3A_22 : vector<16x64x64xi32>
    %and3A = arith.andi %eq3A_26, %lt3A_27 : vector<16x64x64xi1>
    %or3A = arith.ori %lt3A_24, %and3A : vector<16x64x64xi1>
    %convert_element_type3A = arith.extui %or3A : vector<16x64x64xi1> to vector<16x64x64xi32>
    %reduce_sum3A_28 = arith.constant dense<0> : vector<16x64xi32>
    %reduce_sum3A_29 = vector.multi_reduction <add>, %convert_element_type3A, %reduce_sum3A_28 [2] : vector<16x64x64xi32> to vector<16x64xi32>
    %lt3A_30 = arith.constant 32 : i32
    %lt3A_31 = vector.broadcast %lt3A_30 : i32 to vector<16x64xi32>
    %lt3A_32 = arith.cmpi slt, %reduce_sum3A_29, %lt3A_31 : vector<16x64xi32>
    %and3A_33 = arith.andi %lt3A_32, %gt3A_19 : vector<16x64xi1>
    %convert_element_type3A_34 = arith.extui %and3A_33 : vector<16x64xi1> to vector<16x64xi32>
    %swap3A = arith.constant 0 : index
    %swap3A_35 = arith.constant 0 : index
    %swap3A_36 = vector.load %arg7[%swap3A, %swap3A_35] : memref<16x64xi32, #tpu.memory_space<vmem>>, vector<16x64xi32>
    tpu.vector_store %arg7[%swap3A, %swap3A_35], %convert_element_type3A_34 {strides = array<i32>} : memref<16x64xi32, #tpu.memory_space<vmem>>, vector<16x64xi32>,
    %get3A_37 = arith.constant 0 : index
    %get3A_38 = arith.constant 0 : index
    %get3A_39 = vector.load %arg4[%get3A_37, %get3A_38] : memref<16x16xf32, #tpu.memory_space<vmem>>, vector<16x16xf32>
    %get3A_40 = arith.constant 0 : index
    %get3A_41 = arith.constant 0 : index
    %get3A_42 = vector.load %arg5[%get3A_40, %get3A_41] : memref<16x24xf32, #tpu.memory_space<vmem>>, vector<16x24xf32>
    %get3A_43 = arith.constant 0 : index
    %get3A_44 = arith.constant 0 : index
    %get3A_45 = vector.load %arg6[%get3A_43, %get3A_44] : memref<16x24xf32, #tpu.memory_space<vmem>>, vector<16x24xf32>
    %broadcast_in_dim3A_46 = arith.constant 0.000000e+00 : f32
    %broadcast_in_dim3A_47 = vector.broadcast %broadcast_in_dim3A_46 : f32 to vector<16x64x16xf32>
    %slice3A_48 = vector.extract_strided_slice %get3A_2 {offsets = [0, 0, 0], sizes = [16, 64, 1], strides = [1, 1, 1]} : vector<16x64x16xf32> to vector<16x64x1xf32>
    %squeeze3A_49 = vector.shape_cast %slice3A_48 : vector<16x64x1xf32> to vector<16x64xf32>
    %broadcast_in_dim3A_50 = vector.shape_cast %squeeze3A_49 : vector<16x64xf32> to vector<16x64x1xf32>
    %slice3A_51 = vector.extract_strided_slice %get3A_39 {offsets = [0, 0], sizes = [1, 16], strides = [1, 1]} : vector<16x16xf32> to vector<1x16xf32>
    %squeeze3A_52 = vector.shape_cast %slice3A_51 : vector<1x16xf32> to vector<16xf32>
    %broadcast_in_dim3A_53 = vector.shape_cast %squeeze3A_52 : vector<16xf32> to vector<1x1x16xf32>
    %mul3A_54 = vector.broadcast %broadcast_in_dim3A_50 : vector<16x64x1xf32> to vector<16x64x16xf32>
    %mul3A_55 = vector.broadcast %broadcast_in_dim3A_53 : vector<1x1x16xf32> to vector<16x64x16xf32>
    %mul3A_56 = arith.mulf %mul3A_54, %mul3A_55 : vector<16x64x16xf32>
    %add3A_57 = arith.addf %broadcast_in_dim3A_47, %mul3A_56 : vector<16x64x16xf32>
    %slice3A_58 = vector.extract_strided_slice %get3A_2 {offsets = [0, 0, 1], sizes = [16, 64, 1], strides = [1, 1, 1]} : vector<16x64x16xf32> to vector<16x64x1xf32>
    %squeeze3A_59 = vector.shape_cast %slice3A_58 : vector<16x64x1xf32> to vector<16x64xf32>
    %broadcast_in_dim3A_60 = vector.shape_cast %squeeze3A_59 : vector<16x64xf32> to vector<16x64x1xf32>
    %slice3A_61 = vector.extract_strided_slice %get3A_39 {offsets = [1, 0], sizes = [1, 16], strides = [1, 1]} : vector<16x16xf32> to vector<1x16xf32>
    %squeeze3A_62 = vector.shape_cast %slice3A_61 : vector<1x16xf32> to vector<16xf32>
    %broadcast_in_dim3A_63 = vector.shape_cast %squeeze3A_62 : vector<16xf32> to vector<1x1x16xf32>
    %mul3A_64 = vector.broadcast %broadcast_in_dim3A_60 : vector<16x64x1xf32> to vector<16x64x16xf32>
    %mul3A_65 = vector.broadcast %broadcast_in_dim3A_63 : vector<1x1x16xf32> to vector<16x64x16xf32>
    %mul3A_66 = arith.mulf %mul3A_64, %mul3A_65 : vector<16x64x16xf32>
    %add3A_67 = arith.addf %add3A_57, %mul3A_66 : vector<16x64x16xf32>
    %slice3A_68 = vector.extract_strided_slice %get3A_2 {offsets = [0, 0, 2], sizes = [16, 64, 1], strides = [1, 1, 1]} : vector<16x64x16xf32> to vector<16x64x1xf32>
    %squeeze3A_69 = vector.shape_cast %slice3A_68 : vector<16x64x1xf32> to vector<16x64xf32>
    %broadcast_in_dim3A_70 = vector.shape_cast %squeeze3A_69 : vector<16x64xf32> to vector<16x64x1xf32>
    %slice3A_71 = vector.extract_strided_slice %get3A_39 {offsets = [2, 0], sizes = [1, 16], strides = [1, 1]} : vector<16x16xf32> to vector<1x16xf32>
    %squeeze3A_72 = vector.shape_cast %slice3A_71 : vector<1x16xf32> to vector<16xf32>
    %broadcast_in_dim3A_73 = vector.shape_cast %squeeze3A_72 : vector<16xf32> to vector<1x1x16xf32>
    %mul3A_74 = vector.broadcast %broadcast_in_dim3A_70 : vector<16x64x1xf32> to vector<16x64x16xf32>
    %mul3A_75 = vector.broadcast %broadcast_in_dim3A_73 : vector<1x1x16xf32> to vector<16x64x16xf32>
    %mul3A_76 = arith.mulf %mul3A_74, %mul3A_75 : vector<16x64x16xf32>
    %add3A_77 = arith.addf %add3A_67, %mul3A_76 : vector<16x64x16xf32>
    %slice3A_78 = vector.extract_strided_slice %get3A_2 {offsets = [0, 0, 3], sizes = [16, 64, 1], strides = [1, 1, 1]} : vector<16x64x16xf32> to vector<16x64x1xf32>
    %squeeze3A_79 = vector.shape_cast %slice3A_78 : vector<16x64x1xf32> to vector<16x64xf32>
    %broadcast_in_dim3A_80 = vector.shape_cast %squeeze3A_79 : vector<16x64xf32> to vector<16x64x1xf32>
    %slice3A_81 = vector.extract_strided_slice %get3A_39 {offsets = [3, 0], sizes = [1, 16], strides = [1, 1]} : vector<16x16xf32> to vector<1x16xf32>
    %squeeze3A_82 = vector.shape_cast %slice3A_81 : vector<1x16xf32> to vector<16xf32>
    %broadcast_in_dim3A_83 = vector.shape_cast %squeeze3A_82 : vector<16xf32> to vector<1x1x16xf32>
    %mul3A_84 = vector.broadcast %broadcast_in_dim3A_80 : vector<16x64x1xf32> to vector<16x64x16xf32>
    %mul3A_85 = vector.broadcast %broadcast_in_dim3A_83 : vector<1x1x16xf32> to vector<16x64x16xf32>
    %mul3A_86 = arith.mulf %mul3A_84, %mul3A_85 : vector<16x64x16xf32>
    %add3A_87 = arith.addf %add3A_77, %mul3A_86 : vector<16x64x16xf32>
    %slice3A_88 = vector.extract_strided_slice %get3A_2 {offsets = [0, 0, 4], sizes = [16, 64, 1], strides = [1, 1, 1]} : vector<16x64x16xf32> to vector<16x64x1xf32>
    %squeeze3A_89 = vector.shape_cast %slice3A_88 : vector<16x64x1xf32> to vector<16x64xf32>
    %broadcast_in_dim3A_90 = vector.shape_cast %squeeze3A_89 : vector<16x64xf32> to vector<16x64x1xf32>
    %slice3A_91 = vector.extract_strided_slice %get3A_39 {offsets = [4, 0], sizes = [1, 16], strides = [1, 1]} : vector<16x16xf32> to vector<1x16xf32>
    %squeeze3A_92 = vector.shape_cast %slice3A_91 : vector<1x16xf32> to vector<16xf32>
    %broadcast_in_dim3A_93 = vector.shape_cast %squeeze3A_92 : vector<16xf32> to vector<1x1x16xf32>
    %mul3A_94 = vector.broadcast %broadcast_in_dim3A_90 : vector<16x64x1xf32> to vector<16x64x16xf32>
    %mul3A_95 = vector.broadcast %broadcast_in_dim3A_93 : vector<1x1x16xf32> to vector<16x64x16xf32>
    %mul3A_96 = arith.mulf %mul3A_94, %mul3A_95 : vector<16x64x16xf32>
    %add3A_97 = arith.addf %add3A_87, %mul3A_96 : vector<16x64x16xf32>
    %slice3A_98 = vector.extract_strided_slice %get3A_2 {offsets = [0, 0, 5], sizes = [16, 64, 1], strides = [1, 1, 1]} : vector<16x64x16xf32> to vector<16x64x1xf32>
    %squeeze3A_99 = vector.shape_cast %slice3A_98 : vector<16x64x1xf32> to vector<16x64xf32>
    %broadcast_in_dim3A_100 = vector.shape_cast %squeeze3A_99 : vector<16x64xf32> to vector<16x64x1xf32>
    %slice3A_101 = vector.extract_strided_slice %get3A_39 {offsets = [5, 0], sizes = [1, 16], strides = [1, 1]} : vector<16x16xf32> to vector<1x16xf32>
    %squeeze3A_102 = vector.shape_cast %slice3A_101 : vector<1x16xf32> to vector<16xf32>
    %broadcast_in_dim3A_103 = vector.shape_cast %squeeze3A_102 : vector<16xf32> to vector<1x1x16xf32>
    %mul3A_104 = vector.broadcast %broadcast_in_dim3A_100 : vector<16x64x1xf32> to vector<16x64x16xf32>
    %mul3A_105 = vector.broadcast %broadcast_in_dim3A_103 : vector<1x1x16xf32> to vector<16x64x16xf32>
    %mul3A_106 = arith.mulf %mul3A_104, %mul3A_105 : vector<16x64x16xf32>
    %add3A_107 = arith.addf %add3A_97, %mul3A_106 : vector<16x64x16xf32>
    %slice3A_108 = vector.extract_strided_slice %get3A_2 {offsets = [0, 0, 6], sizes = [16, 64, 1], strides = [1, 1, 1]} : vector<16x64x16xf32> to vector<16x64x1xf32>
    %squeeze3A_109 = vector.shape_cast %slice3A_108 : vector<16x64x1xf32> to vector<16x64xf32>
    %broadcast_in_dim3A_110 = vector.shape_cast %squeeze3A_109 : vector<16x64xf32> to vector<16x64x1xf32>
    %slice3A_111 = vector.extract_strided_slice %get3A_39 {offsets = [6, 0], sizes = [1, 16], strides = [1, 1]} : vector<16x16xf32> to vector<1x16xf32>
    %squeeze3A_112 = vector.shape_cast %slice3A_111 : vector<1x16xf32> to vector<16xf32>
    %broadcast_in_dim3A_113 = vector.shape_cast %squeeze3A_112 : vector<16xf32> to vector<1x1x16xf32>
    %mul3A_114 = vector.broadcast %broadcast_in_dim3A_110 : vector<16x64x1xf32> to vector<16x64x16xf32>
    %mul3A_115 = vector.broadcast %broadcast_in_dim3A_113 : vector<1x1x16xf32> to vector<16x64x16xf32>
    %mul3A_116 = arith.mulf %mul3A_114, %mul3A_115 : vector<16x64x16xf32>
    %add3A_117 = arith.addf %add3A_107, %mul3A_116 : vector<16x64x16xf32>
    %slice3A_118 = vector.extract_strided_slice %get3A_2 {offsets = [0, 0, 7], sizes = [16, 64, 1], strides = [1, 1, 1]} : vector<16x64x16xf32> to vector<16x64x1xf32>
    %squeeze3A_119 = vector.shape_cast %slice3A_118 : vector<16x64x1xf32> to vector<16x64xf32>
    %broadcast_in_dim3A_120 = vector.shape_cast %squeeze3A_119 : vector<16x64xf32> to vector<16x64x1xf32>
    %slice3A_121 = vector.extract_strided_slice %get3A_39 {offsets = [7, 0], sizes = [1, 16], strides = [1, 1]} : vector<16x16xf32> to vector<1x16xf32>
    %squeeze3A_122 = vector.shape_cast %slice3A_121 : vector<1x16xf32> to vector<16xf32>
    %broadcast_in_dim3A_123 = vector.shape_cast %squeeze3A_122 : vector<16xf32> to vector<1x1x16xf32>
    %mul3A_124 = vector.broadcast %broadcast_in_dim3A_120 : vector<16x64x1xf32> to vector<16x64x16xf32>
    %mul3A_125 = vector.broadcast %broadcast_in_dim3A_123 : vector<1x1x16xf32> to vector<16x64x16xf32>
    %mul3A_126 = arith.mulf %mul3A_124, %mul3A_125 : vector<16x64x16xf32>
    %add3A_127 = arith.addf %add3A_117, %mul3A_126 : vector<16x64x16xf32>
    %slice3A_128 = vector.extract_strided_slice %get3A_2 {offsets = [0, 0, 8], sizes = [16, 64, 1], strides = [1, 1, 1]} : vector<16x64x16xf32> to vector<16x64x1xf32>
    %squeeze3A_129 = vector.shape_cast %slice3A_128 : vector<16x64x1xf32> to vector<16x64xf32>
    %broadcast_in_dim3A_130 = vector.shape_cast %squeeze3A_129 : vector<16x64xf32> to vector<16x64x1xf32>
    %slice3A_131 = vector.extract_strided_slice %get3A_39 {offsets = [8, 0], sizes = [1, 16], strides = [1, 1]} : vector<16x16xf32> to vector<1x16xf32>
    %squeeze3A_132 = vector.shape_cast %slice3A_131 : vector<1x16xf32> to vector<16xf32>
    %broadcast_in_dim3A_133 = vector.shape_cast %squeeze3A_132 : vector<16xf32> to vector<1x1x16xf32>
    %mul3A_134 = vector.broadcast %broadcast_in_dim3A_130 : vector<16x64x1xf32> to vector<16x64x16xf32>
    %mul3A_135 = vector.broadcast %broadcast_in_dim3A_133 : vector<1x1x16xf32> to vector<16x64x16xf32>
    %mul3A_136 = arith.mulf %mul3A_134, %mul3A_135 : vector<16x64x16xf32>
    %add3A_137 = arith.addf %add3A_127, %mul3A_136 : vector<16x64x16xf32>
    %slice3A_138 = vector.extract_strided_slice %get3A_2 {offsets = [0, 0, 9], sizes = [16, 64, 1], strides = [1, 1, 1]} : vector<16x64x16xf32> to vector<16x64x1xf32>
    %squeeze3A_139 = vector.shape_cast %slice3A_138 : vector<16x64x1xf32> to vector<16x64xf32>
    %broadcast_in_dim3A_140 = vector.shape_cast %squeeze3A_139 : vector<16x64xf32> to vector<16x64x1xf32>
    %slice3A_141 = vector.extract_strided_slice %get3A_39 {offsets = [9, 0], sizes = [1, 16], strides = [1, 1]} : vector<16x16xf32> to vector<1x16xf32>
    %squeeze3A_142 = vector.shape_cast %slice3A_141 : vector<1x16xf32> to vector<16xf32>
    %broadcast_in_dim3A_143 = vector.shape_cast %squeeze3A_142 : vector<16xf32> to vector<1x1x16xf32>
    %mul3A_144 = vector.broadcast %broadcast_in_dim3A_140 : vector<16x64x1xf32> to vector<16x64x16xf32>
    %mul3A_145 = vector.broadcast %broadcast_in_dim3A_143 : vector<1x1x16xf32> to vector<16x64x16xf32>
    %mul3A_146 = arith.mulf %mul3A_144, %mul3A_145 : vector<16x64x16xf32>
    %add3A_147 = arith.addf %add3A_137, %mul3A_146 : vector<16x64x16xf32>
    %slice3A_148 = vector.extract_strided_slice %get3A_2 {offsets = [0, 0, 10], sizes = [16, 64, 1], strides = [1, 1, 1]} : vector<16x64x16xf32> to vector<16x64x1xf32>
    %squeeze3A_149 = vector.shape_cast %slice3A_148 : vector<16x64x1xf32> to vector<16x64xf32>
    %broadcast_in_dim3A_150 = vector.shape_cast %squeeze3A_149 : vector<16x64xf32> to vector<16x64x1xf32>
    %slice3A_151 = vector.extract_strided_slice %get3A_39 {offsets = [10, 0], sizes = [1, 16], strides = [1, 1]} : vector<16x16xf32> to vector<1x16xf32>
    %squeeze3A_152 = vector.shape_cast %slice3A_151 : vector<1x16xf32> to vector<16xf32>
    %broadcast_in_dim3A_153 = vector.shape_cast %squeeze3A_152 : vector<16xf32> to vector<1x1x16xf32>
    %mul3A_154 = vector.broadcast %broadcast_in_dim3A_150 : vector<16x64x1xf32> to vector<16x64x16xf32>
    %mul3A_155 = vector.broadcast %broadcast_in_dim3A_153 : vector<1x1x16xf32> to vector<16x64x16xf32>
    %mul3A_156 = arith.mulf %mul3A_154, %mul3A_155 : vector<16x64x16xf32>
    %add3A_157 = arith.addf %add3A_147, %mul3A_156 : vector<16x64x16xf32>
    %slice3A_158 = vector.extract_strided_slice %get3A_2 {offsets = [0, 0, 11], sizes = [16, 64, 1], strides = [1, 1, 1]} : vector<16x64x16xf32> to vector<16x64x1xf32>
    %squeeze3A_159 = vector.shape_cast %slice3A_158 : vector<16x64x1xf32> to vector<16x64xf32>
    %broadcast_in_dim3A_160 = vector.shape_cast %squeeze3A_159 : vector<16x64xf32> to vector<16x64x1xf32>
    %slice3A_161 = vector.extract_strided_slice %get3A_39 {offsets = [11, 0], sizes = [1, 16], strides = [1, 1]} : vector<16x16xf32> to vector<1x16xf32>
    %squeeze3A_162 = vector.shape_cast %slice3A_161 : vector<1x16xf32> to vector<16xf32>
    %broadcast_in_dim3A_163 = vector.shape_cast %squeeze3A_162 : vector<16xf32> to vector<1x1x16xf32>
    %mul3A_164 = vector.broadcast %broadcast_in_dim3A_160 : vector<16x64x1xf32> to vector<16x64x16xf32>
    %mul3A_165 = vector.broadcast %broadcast_in_dim3A_163 : vector<1x1x16xf32> to vector<16x64x16xf32>
    %mul3A_166 = arith.mulf %mul3A_164, %mul3A_165 : vector<16x64x16xf32>
    %add3A_167 = arith.addf %add3A_157, %mul3A_166 : vector<16x64x16xf32>
    %slice3A_168 = vector.extract_strided_slice %get3A_2 {offsets = [0, 0, 12], sizes = [16, 64, 1], strides = [1, 1, 1]} : vector<16x64x16xf32> to vector<16x64x1xf32>
    %squeeze3A_169 = vector.shape_cast %slice3A_168 : vector<16x64x1xf32> to vector<16x64xf32>
    %broadcast_in_dim3A_170 = vector.shape_cast %squeeze3A_169 : vector<16x64xf32> to vector<16x64x1xf32>
    %slice3A_171 = vector.extract_strided_slice %get3A_39 {offsets = [12, 0], sizes = [1, 16], strides = [1, 1]} : vector<16x16xf32> to vector<1x16xf32>
    %squeeze3A_172 = vector.shape_cast %slice3A_171 : vector<1x16xf32> to vector<16xf32>
    %broadcast_in_dim3A_173 = vector.shape_cast %squeeze3A_172 : vector<16xf32> to vector<1x1x16xf32>
    %mul3A_174 = vector.broadcast %broadcast_in_dim3A_170 : vector<16x64x1xf32> to vector<16x64x16xf32>
    %mul3A_175 = vector.broadcast %broadcast_in_dim3A_173 : vector<1x1x16xf32> to vector<16x64x16xf32>
    %mul3A_176 = arith.mulf %mul3A_174, %mul3A_175 : vector<16x64x16xf32>
    %add3A_177 = arith.addf %add3A_167, %mul3A_176 : vector<16x64x16xf32>
    %slice3A_178 = vector.extract_strided_slice %get3A_2 {offsets = [0, 0, 13], sizes = [16, 64, 1], strides = [1, 1, 1]} : vector<16x64x16xf32> to vector<16x64x1xf32>
    %squeeze3A_179 = vector.shape_cast %slice3A_178 : vector<16x64x1xf32> to vector<16x64xf32>
    %broadcast_in_dim3A_180 = vector.shape_cast %squeeze3A_179 : vector<16x64xf32> to vector<16x64x1xf32>
    %slice3A_181 = vector.extract_strided_slice %get3A_39 {offsets = [13, 0], sizes = [1, 16], strides = [1, 1]} : vector<16x16xf32> to vector<1x16xf32>
    %squeeze3A_182 = vector.shape_cast %slice3A_181 : vector<1x16xf32> to vector<16xf32>
    %broadcast_in_dim3A_183 = vector.shape_cast %squeeze3A_182 : vector<16xf32> to vector<1x1x16xf32>
    %mul3A_184 = vector.broadcast %broadcast_in_dim3A_180 : vector<16x64x1xf32> to vector<16x64x16xf32>
    %mul3A_185 = vector.broadcast %broadcast_in_dim3A_183 : vector<1x1x16xf32> to vector<16x64x16xf32>
    %mul3A_186 = arith.mulf %mul3A_184, %mul3A_185 : vector<16x64x16xf32>
    %add3A_187 = arith.addf %add3A_177, %mul3A_186 : vector<16x64x16xf32>
    %slice3A_188 = vector.extract_strided_slice %get3A_2 {offsets = [0, 0, 14], sizes = [16, 64, 1], strides = [1, 1, 1]} : vector<16x64x16xf32> to vector<16x64x1xf32>
    %squeeze3A_189 = vector.shape_cast %slice3A_188 : vector<16x64x1xf32> to vector<16x64xf32>
    %broadcast_in_dim3A_190 = vector.shape_cast %squeeze3A_189 : vector<16x64xf32> to vector<16x64x1xf32>
    %slice3A_191 = vector.extract_strided_slice %get3A_39 {offsets = [14, 0], sizes = [1, 16], strides = [1, 1]} : vector<16x16xf32> to vector<1x16xf32>
    %squeeze3A_192 = vector.shape_cast %slice3A_191 : vector<1x16xf32> to vector<16xf32>
    %broadcast_in_dim3A_193 = vector.shape_cast %squeeze3A_192 : vector<16xf32> to vector<1x1x16xf32>
    %mul3A_194 = vector.broadcast %broadcast_in_dim3A_190 : vector<16x64x1xf32> to vector<16x64x16xf32>
    %mul3A_195 = vector.broadcast %broadcast_in_dim3A_193 : vector<1x1x16xf32> to vector<16x64x16xf32>
    %mul3A_196 = arith.mulf %mul3A_194, %mul3A_195 : vector<16x64x16xf32>
    %add3A_197 = arith.addf %add3A_187, %mul3A_196 : vector<16x64x16xf32>
    %slice3A_198 = vector.extract_strided_slice %get3A_2 {offsets = [0, 0, 15], sizes = [16, 64, 1], strides = [1, 1, 1]} : vector<16x64x16xf32> to vector<16x64x1xf32>
    %squeeze3A_199 = vector.shape_cast %slice3A_198 : vector<16x64x1xf32> to vector<16x64xf32>
    %broadcast_in_dim3A_200 = vector.shape_cast %squeeze3A_199 : vector<16x64xf32> to vector<16x64x1xf32>
    %slice3A_201 = vector.extract_strided_slice %get3A_39 {offsets = [15, 0], sizes = [1, 16], strides = [1, 1]} : vector<16x16xf32> to vector<1x16xf32>
    %squeeze3A_202 = vector.shape_cast %slice3A_201 : vector<1x16xf32> to vector<16xf32>
    %broadcast_in_dim3A_203 = vector.shape_cast %squeeze3A_202 : vector<16xf32> to vector<1x1x16xf32>
    %mul3A_204 = vector.broadcast %broadcast_in_dim3A_200 : vector<16x64x1xf32> to vector<16x64x16xf32>
    %mul3A_205 = vector.broadcast %broadcast_in_dim3A_203 : vector<1x1x16xf32> to vector<16x64x16xf32>
    %mul3A_206 = arith.mulf %mul3A_204, %mul3A_205 : vector<16x64x16xf32>
    %add3A_207 = arith.addf %add3A_197, %mul3A_206 : vector<16x64x16xf32>
    %swap3A_208 = arith.constant 0 : index
    %swap3A_209 = arith.constant 0 : index
    %swap3A_210 = arith.constant 0 : index
    %swap3A_211 = vector.load %arg9[%swap3A_208, %swap3A_209, %swap3A_210] : memref<16x64x16xf32, #tpu.memory_space<vmem>>, vector<16x64x16xf32>
    tpu.vector_store %arg9[%swap3A_208, %swap3A_209, %swap3A_210], %add3A_207 {strides = array<i32>} : memref<16x64x16xf32, #tpu.memory_space<vmem>>, vector<16x64x16xf32>,
    %broadcast_in_dim3A_212 = arith.constant 0.000000e+00 : f32
    %broadcast_in_dim3A_213 = vector.broadcast %broadcast_in_dim3A_212 : f32 to vector<16x64x24xf32>
    %slice3A_214 = vector.extract_strided_slice %get3A_2 {offsets = [0, 0, 0], sizes = [16, 64, 1], strides = [1, 1, 1]} : vector<16x64x16xf32> to vector<16x64x1xf32>
    %squeeze3A_215 = vector.shape_cast %slice3A_214 : vector<16x64x1xf32> to vector<16x64xf32>
    %broadcast_in_dim3A_216 = vector.shape_cast %squeeze3A_215 : vector<16x64xf32> to vector<16x64x1xf32>
    %slice3A_217 = vector.extract_strided_slice %get3A_42 {offsets = [0, 0], sizes = [1, 24], strides = [1, 1]} : vector<16x24xf32> to vector<1x24xf32>
    %squeeze3A_218 = vector.shape_cast %slice3A_217 : vector<1x24xf32> to vector<24xf32>
    %broadcast_in_dim3A_219 = vector.shape_cast %squeeze3A_218 : vector<24xf32> to vector<1x1x24xf32>
    %mul3A_220 = vector.broadcast %broadcast_in_dim3A_216 : vector<16x64x1xf32> to vector<16x64x24xf32>
    %mul3A_221 = vector.broadcast %broadcast_in_dim3A_219 : vector<1x1x24xf32> to vector<16x64x24xf32>
    %mul3A_222 = arith.mulf %mul3A_220, %mul3A_221 : vector<16x64x24xf32>
    %add3A_223 = arith.addf %broadcast_in_dim3A_213, %mul3A_222 : vector<16x64x24xf32>
    %slice3A_224 = vector.extract_strided_slice %get3A_2 {offsets = [0, 0, 1], sizes = [16, 64, 1], strides = [1, 1, 1]} : vector<16x64x16xf32> to vector<16x64x1xf32>
    %squeeze3A_225 = vector.shape_cast %slice3A_224 : vector<16x64x1xf32> to vector<16x64xf32>
    %broadcast_in_dim3A_226 = vector.shape_cast %squeeze3A_225 : vector<16x64xf32> to vector<16x64x1xf32>
    %slice3A_227 = vector.extract_strided_slice %get3A_42 {offsets = [1, 0], sizes = [1, 24], strides = [1, 1]} : vector<16x24xf32> to vector<1x24xf32>
    %squeeze3A_228 = vector.shape_cast %slice3A_227 : vector<1x24xf32> to vector<24xf32>
    %broadcast_in_dim3A_229 = vector.shape_cast %squeeze3A_228 : vector<24xf32> to vector<1x1x24xf32>
    %mul3A_230 = vector.broadcast %broadcast_in_dim3A_226 : vector<16x64x1xf32> to vector<16x64x24xf32>
    %mul3A_231 = vector.broadcast %broadcast_in_dim3A_229 : vector<1x1x24xf32> to vector<16x64x24xf32>
    %mul3A_232 = arith.mulf %mul3A_230, %mul3A_231 : vector<16x64x24xf32>
    %add3A_233 = arith.addf %add3A_223, %mul3A_232 : vector<16x64x24xf32>
    %slice3A_234 = vector.extract_strided_slice %get3A_2 {offsets = [0, 0, 2], sizes = [16, 64, 1], strides = [1, 1, 1]} : vector<16x64x16xf32> to vector<16x64x1xf32>
    %squeeze3A_235 = vector.shape_cast %slice3A_234 : vector<16x64x1xf32> to vector<16x64xf32>
    %broadcast_in_dim3A_236 = vector.shape_cast %squeeze3A_235 : vector<16x64xf32> to vector<16x64x1xf32>
    %slice3A_237 = vector.extract_strided_slice %get3A_42 {offsets = [2, 0], sizes = [1, 24], strides = [1, 1]} : vector<16x24xf32> to vector<1x24xf32>
    %squeeze3A_238 = vector.shape_cast %slice3A_237 : vector<1x24xf32> to vector<24xf32>
    %broadcast_in_dim3A_239 = vector.shape_cast %squeeze3A_238 : vector<24xf32> to vector<1x1x24xf32>
    %mul3A_240 = vector.broadcast %broadcast_in_dim3A_236 : vector<16x64x1xf32> to vector<16x64x24xf32>
    %mul3A_241 = vector.broadcast %broadcast_in_dim3A_239 : vector<1x1x24xf32> to vector<16x64x24xf32>
    %mul3A_242 = arith.mulf %mul3A_240, %mul3A_241 : vector<16x64x24xf32>
    %add3A_243 = arith.addf %add3A_233, %mul3A_242 : vector<16x64x24xf32>
    %slice3A_244 = vector.extract_strided_slice %get3A_2 {offsets = [0, 0, 3], sizes = [16, 64, 1], strides = [1, 1, 1]} : vector<16x64x16xf32> to vector<16x64x1xf32>
    %squeeze3A_245 = vector.shape_cast %slice3A_244 : vector<16x64x1xf32> to vector<16x64xf32>
    %broadcast_in_dim3A_246 = vector.shape_cast %squeeze3A_245 : vector<16x64xf32> to vector<16x64x1xf32>
    %slice3A_247 = vector.extract_strided_slice %get3A_42 {offsets = [3, 0], sizes = [1, 24], strides = [1, 1]} : vector<16x24xf32> to vector<1x24xf32>
    %squeeze3A_248 = vector.shape_cast %slice3A_247 : vector<1x24xf32> to vector<24xf32>
    %broadcast_in_dim3A_249 = vector.shape_cast %squeeze3A_248 : vector<24xf32> to vector<1x1x24xf32>
    %mul3A_250 = vector.broadcast %broadcast_in_dim3A_246 : vector<16x64x1xf32> to vector<16x64x24xf32>
    %mul3A_251 = vector.broadcast %broadcast_in_dim3A_249 : vector<1x1x24xf32> to vector<16x64x24xf32>
    %mul3A_252 = arith.mulf %mul3A_250, %mul3A_251 : vector<16x64x24xf32>
    %add3A_253 = arith.addf %add3A_243, %mul3A_252 : vector<16x64x24xf32>
    %slice3A_254 = vector.extract_strided_slice %get3A_2 {offsets = [0, 0, 4], sizes = [16, 64, 1], strides = [1, 1, 1]} : vector<16x64x16xf32> to vector<16x64x1xf32>
    %squeeze3A_255 = vector.shape_cast %slice3A_254 : vector<16x64x1xf32> to vector<16x64xf32>
    %broadcast_in_dim3A_256 = vector.shape_cast %squeeze3A_255 : vector<16x64xf32> to vector<16x64x1xf32>
    %slice3A_257 = vector.extract_strided_slice %get3A_42 {offsets = [4, 0], sizes = [1, 24], strides = [1, 1]} : vector<16x24xf32> to vector<1x24xf32>
    %squeeze3A_258 = vector.shape_cast %slice3A_257 : vector<1x24xf32> to vector<24xf32>
    %broadcast_in_dim3A_259 = vector.shape_cast %squeeze3A_258 : vector<24xf32> to vector<1x1x24xf32>
    %mul3A_260 = vector.broadcast %broadcast_in_dim3A_256 : vector<16x64x1xf32> to vector<16x64x24xf32>
    %mul3A_261 = vector.broadcast %broadcast_in_dim3A_259 : vector<1x1x24xf32> to vector<16x64x24xf32>
    %mul3A_262 = arith.mulf %mul3A_260, %mul3A_261 : vector<16x64x24xf32>
    %add3A_263 = arith.addf %add3A_253, %mul3A_262 : vector<16x64x24xf32>
    %slice3A_264 = vector.extract_strided_slice %get3A_2 {offsets = [0, 0, 5], sizes = [16, 64, 1], strides = [1, 1, 1]} : vector<16x64x16xf32> to vector<16x64x1xf32>
    %squeeze3A_265 = vector.shape_cast %slice3A_264 : vector<16x64x1xf32> to vector<16x64xf32>
    %broadcast_in_dim3A_266 = vector.shape_cast %squeeze3A_265 : vector<16x64xf32> to vector<16x64x1xf32>
    %slice3A_267 = vector.extract_strided_slice %get3A_42 {offsets = [5, 0], sizes = [1, 24], strides = [1, 1]} : vector<16x24xf32> to vector<1x24xf32>
    %squeeze3A_268 = vector.shape_cast %slice3A_267 : vector<1x24xf32> to vector<24xf32>
    %broadcast_in_dim3A_269 = vector.shape_cast %squeeze3A_268 : vector<24xf32> to vector<1x1x24xf32>
    %mul3A_270 = vector.broadcast %broadcast_in_dim3A_266 : vector<16x64x1xf32> to vector<16x64x24xf32>
    %mul3A_271 = vector.broadcast %broadcast_in_dim3A_269 : vector<1x1x24xf32> to vector<16x64x24xf32>
    %mul3A_272 = arith.mulf %mul3A_270, %mul3A_271 : vector<16x64x24xf32>
    %add3A_273 = arith.addf %add3A_263, %mul3A_272 : vector<16x64x24xf32>
    %slice3A_274 = vector.extract_strided_slice %get3A_2 {offsets = [0, 0, 6], sizes = [16, 64, 1], strides = [1, 1, 1]} : vector<16x64x16xf32> to vector<16x64x1xf32>
    %squeeze3A_275 = vector.shape_cast %slice3A_274 : vector<16x64x1xf32> to vector<16x64xf32>
    %broadcast_in_dim3A_276 = vector.shape_cast %squeeze3A_275 : vector<16x64xf32> to vector<16x64x1xf32>
    %slice3A_277 = vector.extract_strided_slice %get3A_42 {offsets = [6, 0], sizes = [1, 24], strides = [1, 1]} : vector<16x24xf32> to vector<1x24xf32>
    %squeeze3A_278 = vector.shape_cast %slice3A_277 : vector<1x24xf32> to vector<24xf32>
    %broadcast_in_dim3A_279 = vector.shape_cast %squeeze3A_278 : vector<24xf32> to vector<1x1x24xf32>
    %mul3A_280 = vector.broadcast %broadcast_in_dim3A_276 : vector<16x64x1xf32> to vector<16x64x24xf32>
    %mul3A_281 = vector.broadcast %broadcast_in_dim3A_279 : vector<1x1x24xf32> to vector<16x64x24xf32>
    %mul3A_282 = arith.mulf %mul3A_280, %mul3A_281 : vector<16x64x24xf32>
    %add3A_283 = arith.addf %add3A_273, %mul3A_282 : vector<16x64x24xf32>
    %slice3A_284 = vector.extract_strided_slice %get3A_2 {offsets = [0, 0, 7], sizes = [16, 64, 1], strides = [1, 1, 1]} : vector<16x64x16xf32> to vector<16x64x1xf32>
    %squeeze3A_285 = vector.shape_cast %slice3A_284 : vector<16x64x1xf32> to vector<16x64xf32>
    %broadcast_in_dim3A_286 = vector.shape_cast %squeeze3A_285 : vector<16x64xf32> to vector<16x64x1xf32>
    %slice3A_287 = vector.extract_strided_slice %get3A_42 {offsets = [7, 0], sizes = [1, 24], strides = [1, 1]} : vector<16x24xf32> to vector<1x24xf32>
    %squeeze3A_288 = vector.shape_cast %slice3A_287 : vector<1x24xf32> to vector<24xf32>
    %broadcast_in_dim3A_289 = vector.shape_cast %squeeze3A_288 : vector<24xf32> to vector<1x1x24xf32>
    %mul3A_290 = vector.broadcast %broadcast_in_dim3A_286 : vector<16x64x1xf32> to vector<16x64x24xf32>
    %mul3A_291 = vector.broadcast %broadcast_in_dim3A_289 : vector<1x1x24xf32> to vector<16x64x24xf32>
    %mul3A_292 = arith.mulf %mul3A_290, %mul3A_291 : vector<16x64x24xf32>
    %add3A_293 = arith.addf %add3A_283, %mul3A_292 : vector<16x64x24xf32>
    %slice3A_294 = vector.extract_strided_slice %get3A_2 {offsets = [0, 0, 8], sizes = [16, 64, 1], strides = [1, 1, 1]} : vector<16x64x16xf32> to vector<16x64x1xf32>
    %squeeze3A_295 = vector.shape_cast %slice3A_294 : vector<16x64x1xf32> to vector<16x64xf32>
    %broadcast_in_dim3A_296 = vector.shape_cast %squeeze3A_295 : vector<16x64xf32> to vector<16x64x1xf32>
    %slice3A_297 = vector.extract_strided_slice %get3A_42 {offsets = [8, 0], sizes = [1, 24], strides = [1, 1]} : vector<16x24xf32> to vector<1x24xf32>
    %squeeze3A_298 = vector.shape_cast %slice3A_297 : vector<1x24xf32> to vector<24xf32>
    %broadcast_in_dim3A_299 = vector.shape_cast %squeeze3A_298 : vector<24xf32> to vector<1x1x24xf32>
    %mul3A_300 = vector.broadcast %broadcast_in_dim3A_296 : vector<16x64x1xf32> to vector<16x64x24xf32>
    %mul3A_301 = vector.broadcast %broadcast_in_dim3A_299 : vector<1x1x24xf32> to vector<16x64x24xf32>
    %mul3A_302 = arith.mulf %mul3A_300, %mul3A_301 : vector<16x64x24xf32>
    %add3A_303 = arith.addf %add3A_293, %mul3A_302 : vector<16x64x24xf32>
    %slice3A_304 = vector.extract_strided_slice %get3A_2 {offsets = [0, 0, 9], sizes = [16, 64, 1], strides = [1, 1, 1]} : vector<16x64x16xf32> to vector<16x64x1xf32>
    %squeeze3A_305 = vector.shape_cast %slice3A_304 : vector<16x64x1xf32> to vector<16x64xf32>
    %broadcast_in_dim3A_306 = vector.shape_cast %squeeze3A_305 : vector<16x64xf32> to vector<16x64x1xf32>
    %slice3A_307 = vector.extract_strided_slice %get3A_42 {offsets = [9, 0], sizes = [1, 24], strides = [1, 1]} : vector<16x24xf32> to vector<1x24xf32>
    %squeeze3A_308 = vector.shape_cast %slice3A_307 : vector<1x24xf32> to vector<24xf32>
    %broadcast_in_dim3A_309 = vector.shape_cast %squeeze3A_308 : vector<24xf32> to vector<1x1x24xf32>
    %mul3A_310 = vector.broadcast %broadcast_in_dim3A_306 : vector<16x64x1xf32> to vector<16x64x24xf32>
    %mul3A_311 = vector.broadcast %broadcast_in_dim3A_309 : vector<1x1x24xf32> to vector<16x64x24xf32>
    %mul3A_312 = arith.mulf %mul3A_310, %mul3A_311 : vector<16x64x24xf32>
    %add3A_313 = arith.addf %add3A_303, %mul3A_312 : vector<16x64x24xf32>
    %slice3A_314 = vector.extract_strided_slice %get3A_2 {offsets = [0, 0, 10], sizes = [16, 64, 1], strides = [1, 1, 1]} : vector<16x64x16xf32> to vector<16x64x1xf32>
    %squeeze3A_315 = vector.shape_cast %slice3A_314 : vector<16x64x1xf32> to vector<16x64xf32>
    %broadcast_in_dim3A_316 = vector.shape_cast %squeeze3A_315 : vector<16x64xf32> to vector<16x64x1xf32>
    %slice3A_317 = vector.extract_strided_slice %get3A_42 {offsets = [10, 0], sizes = [1, 24], strides = [1, 1]} : vector<16x24xf32> to vector<1x24xf32>
    %squeeze3A_318 = vector.shape_cast %slice3A_317 : vector<1x24xf32> to vector<24xf32>
    %broadcast_in_dim3A_319 = vector.shape_cast %squeeze3A_318 : vector<24xf32> to vector<1x1x24xf32>
    %mul3A_320 = vector.broadcast %broadcast_in_dim3A_316 : vector<16x64x1xf32> to vector<16x64x24xf32>
    %mul3A_321 = vector.broadcast %broadcast_in_dim3A_319 : vector<1x1x24xf32> to vector<16x64x24xf32>
    %mul3A_322 = arith.mulf %mul3A_320, %mul3A_321 : vector<16x64x24xf32>
    %add3A_323 = arith.addf %add3A_313, %mul3A_322 : vector<16x64x24xf32>
    %slice3A_324 = vector.extract_strided_slice %get3A_2 {offsets = [0, 0, 11], sizes = [16, 64, 1], strides = [1, 1, 1]} : vector<16x64x16xf32> to vector<16x64x1xf32>
    %squeeze3A_325 = vector.shape_cast %slice3A_324 : vector<16x64x1xf32> to vector<16x64xf32>
    %broadcast_in_dim3A_326 = vector.shape_cast %squeeze3A_325 : vector<16x64xf32> to vector<16x64x1xf32>
    %slice3A_327 = vector.extract_strided_slice %get3A_42 {offsets = [11, 0], sizes = [1, 24], strides = [1, 1]} : vector<16x24xf32> to vector<1x24xf32>
    %squeeze3A_328 = vector.shape_cast %slice3A_327 : vector<1x24xf32> to vector<24xf32>
    %broadcast_in_dim3A_329 = vector.shape_cast %squeeze3A_328 : vector<24xf32> to vector<1x1x24xf32>
    %mul3A_330 = vector.broadcast %broadcast_in_dim3A_326 : vector<16x64x1xf32> to vector<16x64x24xf32>
    %mul3A_331 = vector.broadcast %broadcast_in_dim3A_329 : vector<1x1x24xf32> to vector<16x64x24xf32>
    %mul3A_332 = arith.mulf %mul3A_330, %mul3A_331 : vector<16x64x24xf32>
    %add3A_333 = arith.addf %add3A_323, %mul3A_332 : vector<16x64x24xf32>
    %slice3A_334 = vector.extract_strided_slice %get3A_2 {offsets = [0, 0, 12], sizes = [16, 64, 1], strides = [1, 1, 1]} : vector<16x64x16xf32> to vector<16x64x1xf32>
    %squeeze3A_335 = vector.shape_cast %slice3A_334 : vector<16x64x1xf32> to vector<16x64xf32>
    %broadcast_in_dim3A_336 = vector.shape_cast %squeeze3A_335 : vector<16x64xf32> to vector<16x64x1xf32>
    %slice3A_337 = vector.extract_strided_slice %get3A_42 {offsets = [12, 0], sizes = [1, 24], strides = [1, 1]} : vector<16x24xf32> to vector<1x24xf32>
    %squeeze3A_338 = vector.shape_cast %slice3A_337 : vector<1x24xf32> to vector<24xf32>
    %broadcast_in_dim3A_339 = vector.shape_cast %squeeze3A_338 : vector<24xf32> to vector<1x1x24xf32>
    %mul3A_340 = vector.broadcast %broadcast_in_dim3A_336 : vector<16x64x1xf32> to vector<16x64x24xf32>
    %mul3A_341 = vector.broadcast %broadcast_in_dim3A_339 : vector<1x1x24xf32> to vector<16x64x24xf32>
    %mul3A_342 = arith.mulf %mul3A_340, %mul3A_341 : vector<16x64x24xf32>
    %add3A_343 = arith.addf %add3A_333, %mul3A_342 : vector<16x64x24xf32>
    %slice3A_344 = vector.extract_strided_slice %get3A_2 {offsets = [0, 0, 13], sizes = [16, 64, 1], strides = [1, 1, 1]} : vector<16x64x16xf32> to vector<16x64x1xf32>
    %squeeze3A_345 = vector.shape_cast %slice3A_344 : vector<16x64x1xf32> to vector<16x64xf32>
    %broadcast_in_dim3A_346 = vector.shape_cast %squeeze3A_345 : vector<16x64xf32> to vector<16x64x1xf32>
    %slice3A_347 = vector.extract_strided_slice %get3A_42 {offsets = [13, 0], sizes = [1, 24], strides = [1, 1]} : vector<16x24xf32> to vector<1x24xf32>
    %squeeze3A_348 = vector.shape_cast %slice3A_347 : vector<1x24xf32> to vector<24xf32>
    %broadcast_in_dim3A_349 = vector.shape_cast %squeeze3A_348 : vector<24xf32> to vector<1x1x24xf32>
    %mul3A_350 = vector.broadcast %broadcast_in_dim3A_346 : vector<16x64x1xf32> to vector<16x64x24xf32>
    %mul3A_351 = vector.broadcast %broadcast_in_dim3A_349 : vector<1x1x24xf32> to vector<16x64x24xf32>
    %mul3A_352 = arith.mulf %mul3A_350, %mul3A_351 : vector<16x64x24xf32>
    %add3A_353 = arith.addf %add3A_343, %mul3A_352 : vector<16x64x24xf32>
    %slice3A_354 = vector.extract_strided_slice %get3A_2 {offsets = [0, 0, 14], sizes = [16, 64, 1], strides = [1, 1, 1]} : vector<16x64x16xf32> to vector<16x64x1xf32>
    %squeeze3A_355 = vector.shape_cast %slice3A_354 : vector<16x64x1xf32> to vector<16x64xf32>
    %broadcast_in_dim3A_356 = vector.shape_cast %squeeze3A_355 : vector<16x64xf32> to vector<16x64x1xf32>
    %slice3A_357 = vector.extract_strided_slice %get3A_42 {offsets = [14, 0], sizes = [1, 24], strides = [1, 1]} : vector<16x24xf32> to vector<1x24xf32>
    %squeeze3A_358 = vector.shape_cast %slice3A_357 : vector<1x24xf32> to vector<24xf32>
    %broadcast_in_dim3A_359 = vector.shape_cast %squeeze3A_358 : vector<24xf32> to vector<1x1x24xf32>
    %mul3A_360 = vector.broadcast %broadcast_in_dim3A_356 : vector<16x64x1xf32> to vector<16x64x24xf32>
    %mul3A_361 = vector.broadcast %broadcast_in_dim3A_359 : vector<1x1x24xf32> to vector<16x64x24xf32>
    %mul3A_362 = arith.mulf %mul3A_360, %mul3A_361 : vector<16x64x24xf32>
    %add3A_363 = arith.addf %add3A_353, %mul3A_362 : vector<16x64x24xf32>
    %slice3A_364 = vector.extract_strided_slice %get3A_2 {offsets = [0, 0, 15], sizes = [16, 64, 1], strides = [1, 1, 1]} : vector<16x64x16xf32> to vector<16x64x1xf32>
    %squeeze3A_365 = vector.shape_cast %slice3A_364 : vector<16x64x1xf32> to vector<16x64xf32>
    %broadcast_in_dim3A_366 = vector.shape_cast %squeeze3A_365 : vector<16x64xf32> to vector<16x64x1xf32>
    %slice3A_367 = vector.extract_strided_slice %get3A_42 {offsets = [15, 0], sizes = [1, 24], strides = [1, 1]} : vector<16x24xf32> to vector<1x24xf32>
    %squeeze3A_368 = vector.shape_cast %slice3A_367 : vector<1x24xf32> to vector<24xf32>
    %broadcast_in_dim3A_369 = vector.shape_cast %squeeze3A_368 : vector<24xf32> to vector<1x1x24xf32>
    %mul3A_370 = vector.broadcast %broadcast_in_dim3A_366 : vector<16x64x1xf32> to vector<16x64x24xf32>
    %mul3A_371 = vector.broadcast %broadcast_in_dim3A_369 : vector<1x1x24xf32> to vector<16x64x24xf32>
    %mul3A_372 = arith.mulf %mul3A_370, %mul3A_371 : vector<16x64x24xf32>
    %add3A_373 = arith.addf %add3A_363, %mul3A_372 : vector<16x64x24xf32>
    %swap3A_374 = arith.constant 0 : index
    %swap3A_375 = arith.constant 0 : index
    %swap3A_376 = arith.constant 0 : index
    %swap3A_377 = vector.load %arg10[%swap3A_374, %swap3A_375, %swap3A_376] : memref<16x64x24xf32, #tpu.memory_space<vmem>>, vector<16x64x24xf32>
    tpu.vector_store %arg10[%swap3A_374, %swap3A_375, %swap3A_376], %add3A_373 {strides = array<i32>} : memref<16x64x24xf32, #tpu.memory_space<vmem>>, vector<16x64x24xf32>,
    %broadcast_in_dim3A_378 = arith.constant 0.000000e+00 : f32
    %broadcast_in_dim3A_379 = vector.broadcast %broadcast_in_dim3A_378 : f32 to vector<16x64x24xf32>
    %slice3A_380 = vector.extract_strided_slice %get3A_2 {offsets = [0, 0, 0], sizes = [16, 64, 1], strides = [1, 1, 1]} : vector<16x64x16xf32> to vector<16x64x1xf32>
    %squeeze3A_381 = vector.shape_cast %slice3A_380 : vector<16x64x1xf32> to vector<16x64xf32>
    %broadcast_in_dim3A_382 = vector.shape_cast %squeeze3A_381 : vector<16x64xf32> to vector<16x64x1xf32>
    %slice3A_383 = vector.extract_strided_slice %get3A_45 {offsets = [0, 0], sizes = [1, 24], strides = [1, 1]} : vector<16x24xf32> to vector<1x24xf32>
    %squeeze3A_384 = vector.shape_cast %slice3A_383 : vector<1x24xf32> to vector<24xf32>
    %broadcast_in_dim3A_385 = vector.shape_cast %squeeze3A_384 : vector<24xf32> to vector<1x1x24xf32>
    %mul3A_386 = vector.broadcast %broadcast_in_dim3A_382 : vector<16x64x1xf32> to vector<16x64x24xf32>
    %mul3A_387 = vector.broadcast %broadcast_in_dim3A_385 : vector<1x1x24xf32> to vector<16x64x24xf32>
    %mul3A_388 = arith.mulf %mul3A_386, %mul3A_387 : vector<16x64x24xf32>
    %add3A_389 = arith.addf %broadcast_in_dim3A_379, %mul3A_388 : vector<16x64x24xf32>
    %slice3A_390 = vector.extract_strided_slice %get3A_2 {offsets = [0, 0, 1], sizes = [16, 64, 1], strides = [1, 1, 1]} : vector<16x64x16xf32> to vector<16x64x1xf32>
    %squeeze3A_391 = vector.shape_cast %slice3A_390 : vector<16x64x1xf32> to vector<16x64xf32>
    %broadcast_in_dim3A_392 = vector.shape_cast %squeeze3A_391 : vector<16x64xf32> to vector<16x64x1xf32>
    %slice3A_393 = vector.extract_strided_slice %get3A_45 {offsets = [1, 0], sizes = [1, 24], strides = [1, 1]} : vector<16x24xf32> to vector<1x24xf32>
    %squeeze3A_394 = vector.shape_cast %slice3A_393 : vector<1x24xf32> to vector<24xf32>
    %broadcast_in_dim3A_395 = vector.shape_cast %squeeze3A_394 : vector<24xf32> to vector<1x1x24xf32>
    %mul3A_396 = vector.broadcast %broadcast_in_dim3A_392 : vector<16x64x1xf32> to vector<16x64x24xf32>
    %mul3A_397 = vector.broadcast %broadcast_in_dim3A_395 : vector<1x1x24xf32> to vector<16x64x24xf32>
    %mul3A_398 = arith.mulf %mul3A_396, %mul3A_397 : vector<16x64x24xf32>
    %add3A_399 = arith.addf %add3A_389, %mul3A_398 : vector<16x64x24xf32>
    %slice3A_400 = vector.extract_strided_slice %get3A_2 {offsets = [0, 0, 2], sizes = [16, 64, 1], strides = [1, 1, 1]} : vector<16x64x16xf32> to vector<16x64x1xf32>
    %squeeze3A_401 = vector.shape_cast %slice3A_400 : vector<16x64x1xf32> to vector<16x64xf32>
    %broadcast_in_dim3A_402 = vector.shape_cast %squeeze3A_401 : vector<16x64xf32> to vector<16x64x1xf32>
    %slice3A_403 = vector.extract_strided_slice %get3A_45 {offsets = [2, 0], sizes = [1, 24], strides = [1, 1]} : vector<16x24xf32> to vector<1x24xf32>
    %squeeze3A_404 = vector.shape_cast %slice3A_403 : vector<1x24xf32> to vector<24xf32>
    %broadcast_in_dim3A_405 = vector.shape_cast %squeeze3A_404 : vector<24xf32> to vector<1x1x24xf32>
    %mul3A_406 = vector.broadcast %broadcast_in_dim3A_402 : vector<16x64x1xf32> to vector<16x64x24xf32>
    %mul3A_407 = vector.broadcast %broadcast_in_dim3A_405 : vector<1x1x24xf32> to vector<16x64x24xf32>
    %mul3A_408 = arith.mulf %mul3A_406, %mul3A_407 : vector<16x64x24xf32>
    %add3A_409 = arith.addf %add3A_399, %mul3A_408 : vector<16x64x24xf32>
    %slice3A_410 = vector.extract_strided_slice %get3A_2 {offsets = [0, 0, 3], sizes = [16, 64, 1], strides = [1, 1, 1]} : vector<16x64x16xf32> to vector<16x64x1xf32>
    %squeeze3A_411 = vector.shape_cast %slice3A_410 : vector<16x64x1xf32> to vector<16x64xf32>
    %broadcast_in_dim3A_412 = vector.shape_cast %squeeze3A_411 : vector<16x64xf32> to vector<16x64x1xf32>
    %slice3A_413 = vector.extract_strided_slice %get3A_45 {offsets = [3, 0], sizes = [1, 24], strides = [1, 1]} : vector<16x24xf32> to vector<1x24xf32>
    %squeeze3A_414 = vector.shape_cast %slice3A_413 : vector<1x24xf32> to vector<24xf32>
    %broadcast_in_dim3A_415 = vector.shape_cast %squeeze3A_414 : vector<24xf32> to vector<1x1x24xf32>
    %mul3A_416 = vector.broadcast %broadcast_in_dim3A_412 : vector<16x64x1xf32> to vector<16x64x24xf32>
    %mul3A_417 = vector.broadcast %broadcast_in_dim3A_415 : vector<1x1x24xf32> to vector<16x64x24xf32>
    %mul3A_418 = arith.mulf %mul3A_416, %mul3A_417 : vector<16x64x24xf32>
    %add3A_419 = arith.addf %add3A_409, %mul3A_418 : vector<16x64x24xf32>
    %slice3A_420 = vector.extract_strided_slice %get3A_2 {offsets = [0, 0, 4], sizes = [16, 64, 1], strides = [1, 1, 1]} : vector<16x64x16xf32> to vector<16x64x1xf32>
    %squeeze3A_421 = vector.shape_cast %slice3A_420 : vector<16x64x1xf32> to vector<16x64xf32>
    %broadcast_in_dim3A_422 = vector.shape_cast %squeeze3A_421 : vector<16x64xf32> to vector<16x64x1xf32>
    %slice3A_423 = vector.extract_strided_slice %get3A_45 {offsets = [4, 0], sizes = [1, 24], strides = [1, 1]} : vector<16x24xf32> to vector<1x24xf32>
    %squeeze3A_424 = vector.shape_cast %slice3A_423 : vector<1x24xf32> to vector<24xf32>
    %broadcast_in_dim3A_425 = vector.shape_cast %squeeze3A_424 : vector<24xf32> to vector<1x1x24xf32>
    %mul3A_426 = vector.broadcast %broadcast_in_dim3A_422 : vector<16x64x1xf32> to vector<16x64x24xf32>
    %mul3A_427 = vector.broadcast %broadcast_in_dim3A_425 : vector<1x1x24xf32> to vector<16x64x24xf32>
    %mul3A_428 = arith.mulf %mul3A_426, %mul3A_427 : vector<16x64x24xf32>
    %add3A_429 = arith.addf %add3A_419, %mul3A_428 : vector<16x64x24xf32>
    %slice3A_430 = vector.extract_strided_slice %get3A_2 {offsets = [0, 0, 5], sizes = [16, 64, 1], strides = [1, 1, 1]} : vector<16x64x16xf32> to vector<16x64x1xf32>
    %squeeze3A_431 = vector.shape_cast %slice3A_430 : vector<16x64x1xf32> to vector<16x64xf32>
    %broadcast_in_dim3A_432 = vector.shape_cast %squeeze3A_431 : vector<16x64xf32> to vector<16x64x1xf32>
    %slice3A_433 = vector.extract_strided_slice %get3A_45 {offsets = [5, 0], sizes = [1, 24], strides = [1, 1]} : vector<16x24xf32> to vector<1x24xf32>
    %squeeze3A_434 = vector.shape_cast %slice3A_433 : vector<1x24xf32> to vector<24xf32>
    %broadcast_in_dim3A_435 = vector.shape_cast %squeeze3A_434 : vector<24xf32> to vector<1x1x24xf32>
    %mul3A_436 = vector.broadcast %broadcast_in_dim3A_432 : vector<16x64x1xf32> to vector<16x64x24xf32>
    %mul3A_437 = vector.broadcast %broadcast_in_dim3A_435 : vector<1x1x24xf32> to vector<16x64x24xf32>
    %mul3A_438 = arith.mulf %mul3A_436, %mul3A_437 : vector<16x64x24xf32>
    %add3A_439 = arith.addf %add3A_429, %mul3A_438 : vector<16x64x24xf32>
    %slice3A_440 = vector.extract_strided_slice %get3A_2 {offsets = [0, 0, 6], sizes = [16, 64, 1], strides = [1, 1, 1]} : vector<16x64x16xf32> to vector<16x64x1xf32>
    %squeeze3A_441 = vector.shape_cast %slice3A_440 : vector<16x64x1xf32> to vector<16x64xf32>
    %broadcast_in_dim3A_442 = vector.shape_cast %squeeze3A_441 : vector<16x64xf32> to vector<16x64x1xf32>
    %slice3A_443 = vector.extract_strided_slice %get3A_45 {offsets = [6, 0], sizes = [1, 24], strides = [1, 1]} : vector<16x24xf32> to vector<1x24xf32>
    %squeeze3A_444 = vector.shape_cast %slice3A_443 : vector<1x24xf32> to vector<24xf32>
    %broadcast_in_dim3A_445 = vector.shape_cast %squeeze3A_444 : vector<24xf32> to vector<1x1x24xf32>
    %mul3A_446 = vector.broadcast %broadcast_in_dim3A_442 : vector<16x64x1xf32> to vector<16x64x24xf32>
    %mul3A_447 = vector.broadcast %broadcast_in_dim3A_445 : vector<1x1x24xf32> to vector<16x64x24xf32>
    %mul3A_448 = arith.mulf %mul3A_446, %mul3A_447 : vector<16x64x24xf32>
    %add3A_449 = arith.addf %add3A_439, %mul3A_448 : vector<16x64x24xf32>
    %slice3A_450 = vector.extract_strided_slice %get3A_2 {offsets = [0, 0, 7], sizes = [16, 64, 1], strides = [1, 1, 1]} : vector<16x64x16xf32> to vector<16x64x1xf32>
    %squeeze3A_451 = vector.shape_cast %slice3A_450 : vector<16x64x1xf32> to vector<16x64xf32>
    %broadcast_in_dim3A_452 = vector.shape_cast %squeeze3A_451 : vector<16x64xf32> to vector<16x64x1xf32>
    %slice3A_453 = vector.extract_strided_slice %get3A_45 {offsets = [7, 0], sizes = [1, 24], strides = [1, 1]} : vector<16x24xf32> to vector<1x24xf32>
    %squeeze3A_454 = vector.shape_cast %slice3A_453 : vector<1x24xf32> to vector<24xf32>
    %broadcast_in_dim3A_455 = vector.shape_cast %squeeze3A_454 : vector<24xf32> to vector<1x1x24xf32>
    %mul3A_456 = vector.broadcast %broadcast_in_dim3A_452 : vector<16x64x1xf32> to vector<16x64x24xf32>
    %mul3A_457 = vector.broadcast %broadcast_in_dim3A_455 : vector<1x1x24xf32> to vector<16x64x24xf32>
    %mul3A_458 = arith.mulf %mul3A_456, %mul3A_457 : vector<16x64x24xf32>
    %add3A_459 = arith.addf %add3A_449, %mul3A_458 : vector<16x64x24xf32>
    %slice3A_460 = vector.extract_strided_slice %get3A_2 {offsets = [0, 0, 8], sizes = [16, 64, 1], strides = [1, 1, 1]} : vector<16x64x16xf32> to vector<16x64x1xf32>
    %squeeze3A_461 = vector.shape_cast %slice3A_460 : vector<16x64x1xf32> to vector<16x64xf32>
    %broadcast_in_dim3A_462 = vector.shape_cast %squeeze3A_461 : vector<16x64xf32> to vector<16x64x1xf32>
    %slice3A_463 = vector.extract_strided_slice %get3A_45 {offsets = [8, 0], sizes = [1, 24], strides = [1, 1]} : vector<16x24xf32> to vector<1x24xf32>
    %squeeze3A_464 = vector.shape_cast %slice3A_463 : vector<1x24xf32> to vector<24xf32>
    %broadcast_in_dim3A_465 = vector.shape_cast %squeeze3A_464 : vector<24xf32> to vector<1x1x24xf32>
    %mul3A_466 = vector.broadcast %broadcast_in_dim3A_462 : vector<16x64x1xf32> to vector<16x64x24xf32>
    %mul3A_467 = vector.broadcast %broadcast_in_dim3A_465 : vector<1x1x24xf32> to vector<16x64x24xf32>
    %mul3A_468 = arith.mulf %mul3A_466, %mul3A_467 : vector<16x64x24xf32>
    %add3A_469 = arith.addf %add3A_459, %mul3A_468 : vector<16x64x24xf32>
    %slice3A_470 = vector.extract_strided_slice %get3A_2 {offsets = [0, 0, 9], sizes = [16, 64, 1], strides = [1, 1, 1]} : vector<16x64x16xf32> to vector<16x64x1xf32>
    %squeeze3A_471 = vector.shape_cast %slice3A_470 : vector<16x64x1xf32> to vector<16x64xf32>
    %broadcast_in_dim3A_472 = vector.shape_cast %squeeze3A_471 : vector<16x64xf32> to vector<16x64x1xf32>
    %slice3A_473 = vector.extract_strided_slice %get3A_45 {offsets = [9, 0], sizes = [1, 24], strides = [1, 1]} : vector<16x24xf32> to vector<1x24xf32>
    %squeeze3A_474 = vector.shape_cast %slice3A_473 : vector<1x24xf32> to vector<24xf32>
    %broadcast_in_dim3A_475 = vector.shape_cast %squeeze3A_474 : vector<24xf32> to vector<1x1x24xf32>
    %mul3A_476 = vector.broadcast %broadcast_in_dim3A_472 : vector<16x64x1xf32> to vector<16x64x24xf32>
    %mul3A_477 = vector.broadcast %broadcast_in_dim3A_475 : vector<1x1x24xf32> to vector<16x64x24xf32>
    %mul3A_478 = arith.mulf %mul3A_476, %mul3A_477 : vector<16x64x24xf32>
    %add3A_479 = arith.addf %add3A_469, %mul3A_478 : vector<16x64x24xf32>
    %slice3A_480 = vector.extract_strided_slice %get3A_2 {offsets = [0, 0, 10], sizes = [16, 64, 1], strides = [1, 1, 1]} : vector<16x64x16xf32> to vector<16x64x1xf32>
    %squeeze3A_481 = vector.shape_cast %slice3A_480 : vector<16x64x1xf32> to vector<16x64xf32>
    %broadcast_in_dim3A_482 = vector.shape_cast %squeeze3A_481 : vector<16x64xf32> to vector<16x64x1xf32>
    %slice3A_483 = vector.extract_strided_slice %get3A_45 {offsets = [10, 0], sizes = [1, 24], strides = [1, 1]} : vector<16x24xf32> to vector<1x24xf32>
    %squeeze3A_484 = vector.shape_cast %slice3A_483 : vector<1x24xf32> to vector<24xf32>
    %broadcast_in_dim3A_485 = vector.shape_cast %squeeze3A_484 : vector<24xf32> to vector<1x1x24xf32>
    %mul3A_486 = vector.broadcast %broadcast_in_dim3A_482 : vector<16x64x1xf32> to vector<16x64x24xf32>
    %mul3A_487 = vector.broadcast %broadcast_in_dim3A_485 : vector<1x1x24xf32> to vector<16x64x24xf32>
    %mul3A_488 = arith.mulf %mul3A_486, %mul3A_487 : vector<16x64x24xf32>
    %add3A_489 = arith.addf %add3A_479, %mul3A_488 : vector<16x64x24xf32>
    %slice3A_490 = vector.extract_strided_slice %get3A_2 {offsets = [0, 0, 11], sizes = [16, 64, 1], strides = [1, 1, 1]} : vector<16x64x16xf32> to vector<16x64x1xf32>
    %squeeze3A_491 = vector.shape_cast %slice3A_490 : vector<16x64x1xf32> to vector<16x64xf32>
    %broadcast_in_dim3A_492 = vector.shape_cast %squeeze3A_491 : vector<16x64xf32> to vector<16x64x1xf32>
    %slice3A_493 = vector.extract_strided_slice %get3A_45 {offsets = [11, 0], sizes = [1, 24], strides = [1, 1]} : vector<16x24xf32> to vector<1x24xf32>
    %squeeze3A_494 = vector.shape_cast %slice3A_493 : vector<1x24xf32> to vector<24xf32>
    %broadcast_in_dim3A_495 = vector.shape_cast %squeeze3A_494 : vector<24xf32> to vector<1x1x24xf32>
    %mul3A_496 = vector.broadcast %broadcast_in_dim3A_492 : vector<16x64x1xf32> to vector<16x64x24xf32>
    %mul3A_497 = vector.broadcast %broadcast_in_dim3A_495 : vector<1x1x24xf32> to vector<16x64x24xf32>
    %mul3A_498 = arith.mulf %mul3A_496, %mul3A_497 : vector<16x64x24xf32>
    %add3A_499 = arith.addf %add3A_489, %mul3A_498 : vector<16x64x24xf32>
    %slice3A_500 = vector.extract_strided_slice %get3A_2 {offsets = [0, 0, 12], sizes = [16, 64, 1], strides = [1, 1, 1]} : vector<16x64x16xf32> to vector<16x64x1xf32>
    %squeeze3A_501 = vector.shape_cast %slice3A_500 : vector<16x64x1xf32> to vector<16x64xf32>
    %broadcast_in_dim3A_502 = vector.shape_cast %squeeze3A_501 : vector<16x64xf32> to vector<16x64x1xf32>
    %slice3A_503 = vector.extract_strided_slice %get3A_45 {offsets = [12, 0], sizes = [1, 24], strides = [1, 1]} : vector<16x24xf32> to vector<1x24xf32>
    %squeeze3A_504 = vector.shape_cast %slice3A_503 : vector<1x24xf32> to vector<24xf32>
    %broadcast_in_dim3A_505 = vector.shape_cast %squeeze3A_504 : vector<24xf32> to vector<1x1x24xf32>
    %mul3A_506 = vector.broadcast %broadcast_in_dim3A_502 : vector<16x64x1xf32> to vector<16x64x24xf32>
    %mul3A_507 = vector.broadcast %broadcast_in_dim3A_505 : vector<1x1x24xf32> to vector<16x64x24xf32>
    %mul3A_508 = arith.mulf %mul3A_506, %mul3A_507 : vector<16x64x24xf32>
    %add3A_509 = arith.addf %add3A_499, %mul3A_508 : vector<16x64x24xf32>
    %slice3A_510 = vector.extract_strided_slice %get3A_2 {offsets = [0, 0, 13], sizes = [16, 64, 1], strides = [1, 1, 1]} : vector<16x64x16xf32> to vector<16x64x1xf32>
    %squeeze3A_511 = vector.shape_cast %slice3A_510 : vector<16x64x1xf32> to vector<16x64xf32>
    %broadcast_in_dim3A_512 = vector.shape_cast %squeeze3A_511 : vector<16x64xf32> to vector<16x64x1xf32>
    %slice3A_513 = vector.extract_strided_slice %get3A_45 {offsets = [13, 0], sizes = [1, 24], strides = [1, 1]} : vector<16x24xf32> to vector<1x24xf32>
    %squeeze3A_514 = vector.shape_cast %slice3A_513 : vector<1x24xf32> to vector<24xf32>
    %broadcast_in_dim3A_515 = vector.shape_cast %squeeze3A_514 : vector<24xf32> to vector<1x1x24xf32>
    %mul3A_516 = vector.broadcast %broadcast_in_dim3A_512 : vector<16x64x1xf32> to vector<16x64x24xf32>
    %mul3A_517 = vector.broadcast %broadcast_in_dim3A_515 : vector<1x1x24xf32> to vector<16x64x24xf32>
    %mul3A_518 = arith.mulf %mul3A_516, %mul3A_517 : vector<16x64x24xf32>
    %add3A_519 = arith.addf %add3A_509, %mul3A_518 : vector<16x64x24xf32>
    %slice3A_520 = vector.extract_strided_slice %get3A_2 {offsets = [0, 0, 14], sizes = [16, 64, 1], strides = [1, 1, 1]} : vector<16x64x16xf32> to vector<16x64x1xf32>
    %squeeze3A_521 = vector.shape_cast %slice3A_520 : vector<16x64x1xf32> to vector<16x64xf32>
    %broadcast_in_dim3A_522 = vector.shape_cast %squeeze3A_521 : vector<16x64xf32> to vector<16x64x1xf32>
    %slice3A_523 = vector.extract_strided_slice %get3A_45 {offsets = [14, 0], sizes = [1, 24], strides = [1, 1]} : vector<16x24xf32> to vector<1x24xf32>
    %squeeze3A_524 = vector.shape_cast %slice3A_523 : vector<1x24xf32> to vector<24xf32>
    %broadcast_in_dim3A_525 = vector.shape_cast %squeeze3A_524 : vector<24xf32> to vector<1x1x24xf32>
    %mul3A_526 = vector.broadcast %broadcast_in_dim3A_522 : vector<16x64x1xf32> to vector<16x64x24xf32>
    %mul3A_527 = vector.broadcast %broadcast_in_dim3A_525 : vector<1x1x24xf32> to vector<16x64x24xf32>
    %mul3A_528 = arith.mulf %mul3A_526, %mul3A_527 : vector<16x64x24xf32>
    %add3A_529 = arith.addf %add3A_519, %mul3A_528 : vector<16x64x24xf32>
    %slice3A_530 = vector.extract_strided_slice %get3A_2 {offsets = [0, 0, 15], sizes = [16, 64, 1], strides = [1, 1, 1]} : vector<16x64x16xf32> to vector<16x64x1xf32>
    %squeeze3A_531 = vector.shape_cast %slice3A_530 : vector<16x64x1xf32> to vector<16x64xf32>
    %broadcast_in_dim3A_532 = vector.shape_cast %squeeze3A_531 : vector<16x64xf32> to vector<16x64x1xf32>
    %slice3A_533 = vector.extract_strided_slice %get3A_45 {offsets = [15, 0], sizes = [1, 24], strides = [1, 1]} : vector<16x24xf32> to vector<1x24xf32>
    %squeeze3A_534 = vector.shape_cast %slice3A_533 : vector<1x24xf32> to vector<24xf32>
    %broadcast_in_dim3A_535 = vector.shape_cast %squeeze3A_534 : vector<24xf32> to vector<1x1x24xf32>
    %mul3A_536 = vector.broadcast %broadcast_in_dim3A_532 : vector<16x64x1xf32> to vector<16x64x24xf32>
    %mul3A_537 = vector.broadcast %broadcast_in_dim3A_535 : vector<1x1x24xf32> to vector<16x64x24xf32>
    %mul3A_538 = arith.mulf %mul3A_536, %mul3A_537 : vector<16x64x24xf32>
    %add3A_539 = arith.addf %add3A_529, %mul3A_538 : vector<16x64x24xf32>
    %concatenate3A = tpu.concatenate %add3A_539, %add3A_539, %add3A_539, %add3A_539, %add3A_539, %add3A_539, %add3A_539, %add3A_539, %add3A_539, %add3A_539, %add3A_539, %add3A_539, %add3A_539, %add3A_539, %add3A_539, %add3A_539, %add3A_539, %add3A_539, %add3A_539, %add3A_539 in 2 : vector<16x64x24xf32>, vector<16x64x24xf32>, vector<16x64x24xf32>, vector<16x64x24xf32>, vector<16x64x24xf32>, vector<16x64x24xf32>, vector<16x64x24xf32>, vector<16x64x24xf32>, vector<16x64x24xf32>, vector<16x64x24xf32>, vector<16x64x24xf32>, vector<16x64x24xf32>, vector<16x64x24xf32>, vector<16x64x24xf32>, vector<16x64x24xf32>, vector<16x64x24xf32>, vector<16x64x24xf32>, vector<16x64x24xf32>, vector<16x64x24xf32>, vector<16x64x24xf32> -> vector<16x64x480xf32>
    %swap3A_540 = arith.constant 0 : index
    %swap3A_541 = arith.constant 0 : index
    %swap3A_542 = arith.constant 0 : index
    %swap3A_543 = vector.load %arg8[%swap3A_540, %swap3A_541, %swap3A_542] : memref<16x64x480xf32, #tpu.memory_space<vmem>>, vector<16x64x480xf32>
    tpu.vector_store %arg8[%swap3A_540, %swap3A_541, %swap3A_542], %concatenate3A {strides = array<i32>} : memref<16x64x480xf32, #tpu.memory_space<vmem>>, vector<16x64x480xf32>,
    %get3A_544 = arith.constant 0 : index
    %get3A_545 = arith.constant 0 : index
    %get3A_546 = vector.load %arg3[%get3A_544, %get3A_545] : memref<16x16xf32, #tpu.memory_space<vmem>>, vector<16x16xf32>
    %broadcast_in_dim3A_547 = arith.constant 0.000000e+00 : f32
    %broadcast_in_dim3A_548 = vector.broadcast %broadcast_in_dim3A_547 : f32 to vector<16x16xf32>
    %slice3A_549 = vector.extract_strided_slice %get3A_546 {offsets = [0, 0], sizes = [16, 1], strides = [1, 1]} : vector<16x16xf32> to vector<16x1xf32>
    %squeeze3A_550 = vector.shape_cast %slice3A_549 : vector<16x1xf32> to vector<16xf32>
    %broadcast_in_dim3A_551 = vector.shape_cast %squeeze3A_550 : vector<16xf32> to vector<16x1xf32>
    %slice3A_552 = vector.extract_strided_slice %get3A_39 {offsets = [0, 0], sizes = [1, 16], strides = [1, 1]} : vector<16x16xf32> to vector<1x16xf32>
    %squeeze3A_553 = vector.shape_cast %slice3A_552 : vector<1x16xf32> to vector<16xf32>
    %broadcast_in_dim3A_554 = vector.shape_cast %squeeze3A_553 : vector<16xf32> to vector<1x16xf32>
    %mul3A_555 = vector.broadcast %broadcast_in_dim3A_551 : vector<16x1xf32> to vector<16x16xf32>
    %mul3A_556 = vector.broadcast %broadcast_in_dim3A_554 : vector<1x16xf32> to vector<16x16xf32>
    %mul3A_557 = arith.mulf %mul3A_555, %mul3A_556 : vector<16x16xf32>
    %add3A_558 = arith.addf %broadcast_in_dim3A_548, %mul3A_557 : vector<16x16xf32>
    %slice3A_559 = vector.extract_strided_slice %get3A_546 {offsets = [0, 1], sizes = [16, 1], strides = [1, 1]} : vector<16x16xf32> to vector<16x1xf32>
    %squeeze3A_560 = vector.shape_cast %slice3A_559 : vector<16x1xf32> to vector<16xf32>
    %broadcast_in_dim3A_561 = vector.shape_cast %squeeze3A_560 : vector<16xf32> to vector<16x1xf32>
    %slice3A_562 = vector.extract_strided_slice %get3A_39 {offsets = [1, 0], sizes = [1, 16], strides = [1, 1]} : vector<16x16xf32> to vector<1x16xf32>
    %squeeze3A_563 = vector.shape_cast %slice3A_562 : vector<1x16xf32> to vector<16xf32>
    %broadcast_in_dim3A_564 = vector.shape_cast %squeeze3A_563 : vector<16xf32> to vector<1x16xf32>
    %mul3A_565 = vector.broadcast %broadcast_in_dim3A_561 : vector<16x1xf32> to vector<16x16xf32>
    %mul3A_566 = vector.broadcast %broadcast_in_dim3A_564 : vector<1x16xf32> to vector<16x16xf32>
    %mul3A_567 = arith.mulf %mul3A_565, %mul3A_566 : vector<16x16xf32>
    %add3A_568 = arith.addf %add3A_558, %mul3A_567 : vector<16x16xf32>
    %slice3A_569 = vector.extract_strided_slice %get3A_546 {offsets = [0, 2], sizes = [16, 1], strides = [1, 1]} : vector<16x16xf32> to vector<16x1xf32>
    %squeeze3A_570 = vector.shape_cast %slice3A_569 : vector<16x1xf32> to vector<16xf32>
    %broadcast_in_dim3A_571 = vector.shape_cast %squeeze3A_570 : vector<16xf32> to vector<16x1xf32>
    %slice3A_572 = vector.extract_strided_slice %get3A_39 {offsets = [2, 0], sizes = [1, 16], strides = [1, 1]} : vector<16x16xf32> to vector<1x16xf32>
    %squeeze3A_573 = vector.shape_cast %slice3A_572 : vector<1x16xf32> to vector<16xf32>
    %broadcast_in_dim3A_574 = vector.shape_cast %squeeze3A_573 : vector<16xf32> to vector<1x16xf32>
    %mul3A_575 = vector.broadcast %broadcast_in_dim3A_571 : vector<16x1xf32> to vector<16x16xf32>
    %mul3A_576 = vector.broadcast %broadcast_in_dim3A_574 : vector<1x16xf32> to vector<16x16xf32>
    %mul3A_577 = arith.mulf %mul3A_575, %mul3A_576 : vector<16x16xf32>
    %add3A_578 = arith.addf %add3A_568, %mul3A_577 : vector<16x16xf32>
    %slice3A_579 = vector.extract_strided_slice %get3A_546 {offsets = [0, 3], sizes = [16, 1], strides = [1, 1]} : vector<16x16xf32> to vector<16x1xf32>
    %squeeze3A_580 = vector.shape_cast %slice3A_579 : vector<16x1xf32> to vector<16xf32>
    %broadcast_in_dim3A_581 = vector.shape_cast %squeeze3A_580 : vector<16xf32> to vector<16x1xf32>
    %slice3A_582 = vector.extract_strided_slice %get3A_39 {offsets = [3, 0], sizes = [1, 16], strides = [1, 1]} : vector<16x16xf32> to vector<1x16xf32>
    %squeeze3A_583 = vector.shape_cast %slice3A_582 : vector<1x16xf32> to vector<16xf32>
    %broadcast_in_dim3A_584 = vector.shape_cast %squeeze3A_583 : vector<16xf32> to vector<1x16xf32>
    %mul3A_585 = vector.broadcast %broadcast_in_dim3A_581 : vector<16x1xf32> to vector<16x16xf32>
    %mul3A_586 = vector.broadcast %broadcast_in_dim3A_584 : vector<1x16xf32> to vector<16x16xf32>
    %mul3A_587 = arith.mulf %mul3A_585, %mul3A_586 : vector<16x16xf32>
    %add3A_588 = arith.addf %add3A_578, %mul3A_587 : vector<16x16xf32>
    %slice3A_589 = vector.extract_strided_slice %get3A_546 {offsets = [0, 4], sizes = [16, 1], strides = [1, 1]} : vector<16x16xf32> to vector<16x1xf32>
    %squeeze3A_590 = vector.shape_cast %slice3A_589 : vector<16x1xf32> to vector<16xf32>
    %broadcast_in_dim3A_591 = vector.shape_cast %squeeze3A_590 : vector<16xf32> to vector<16x1xf32>
    %slice3A_592 = vector.extract_strided_slice %get3A_39 {offsets = [4, 0], sizes = [1, 16], strides = [1, 1]} : vector<16x16xf32> to vector<1x16xf32>
    %squeeze3A_593 = vector.shape_cast %slice3A_592 : vector<1x16xf32> to vector<16xf32>
    %broadcast_in_dim3A_594 = vector.shape_cast %squeeze3A_593 : vector<16xf32> to vector<1x16xf32>
    %mul3A_595 = vector.broadcast %broadcast_in_dim3A_591 : vector<16x1xf32> to vector<16x16xf32>
    %mul3A_596 = vector.broadcast %broadcast_in_dim3A_594 : vector<1x16xf32> to vector<16x16xf32>
    %mul3A_597 = arith.mulf %mul3A_595, %mul3A_596 : vector<16x16xf32>
    %add3A_598 = arith.addf %add3A_588, %mul3A_597 : vector<16x16xf32>
    %slice3A_599 = vector.extract_strided_slice %get3A_546 {offsets = [0, 5], sizes = [16, 1], strides = [1, 1]} : vector<16x16xf32> to vector<16x1xf32>
    %squeeze3A_600 = vector.shape_cast %slice3A_599 : vector<16x1xf32> to vector<16xf32>
    %broadcast_in_dim3A_601 = vector.shape_cast %squeeze3A_600 : vector<16xf32> to vector<16x1xf32>
    %slice3A_602 = vector.extract_strided_slice %get3A_39 {offsets = [5, 0], sizes = [1, 16], strides = [1, 1]} : vector<16x16xf32> to vector<1x16xf32>
    %squeeze3A_603 = vector.shape_cast %slice3A_602 : vector<1x16xf32> to vector<16xf32>
    %broadcast_in_dim3A_604 = vector.shape_cast %squeeze3A_603 : vector<16xf32> to vector<1x16xf32>
    %mul3A_605 = vector.broadcast %broadcast_in_dim3A_601 : vector<16x1xf32> to vector<16x16xf32>
    %mul3A_606 = vector.broadcast %broadcast_in_dim3A_604 : vector<1x16xf32> to vector<16x16xf32>
    %mul3A_607 = arith.mulf %mul3A_605, %mul3A_606 : vector<16x16xf32>
    %add3A_608 = arith.addf %add3A_598, %mul3A_607 : vector<16x16xf32>
    %slice3A_609 = vector.extract_strided_slice %get3A_546 {offsets = [0, 6], sizes = [16, 1], strides = [1, 1]} : vector<16x16xf32> to vector<16x1xf32>
    %squeeze3A_610 = vector.shape_cast %slice3A_609 : vector<16x1xf32> to vector<16xf32>
    %broadcast_in_dim3A_611 = vector.shape_cast %squeeze3A_610 : vector<16xf32> to vector<16x1xf32>
    %slice3A_612 = vector.extract_strided_slice %get3A_39 {offsets = [6, 0], sizes = [1, 16], strides = [1, 1]} : vector<16x16xf32> to vector<1x16xf32>
    %squeeze3A_613 = vector.shape_cast %slice3A_612 : vector<1x16xf32> to vector<16xf32>
    %broadcast_in_dim3A_614 = vector.shape_cast %squeeze3A_613 : vector<16xf32> to vector<1x16xf32>
    %mul3A_615 = vector.broadcast %broadcast_in_dim3A_611 : vector<16x1xf32> to vector<16x16xf32>
    %mul3A_616 = vector.broadcast %broadcast_in_dim3A_614 : vector<1x16xf32> to vector<16x16xf32>
    %mul3A_617 = arith.mulf %mul3A_615, %mul3A_616 : vector<16x16xf32>
    %add3A_618 = arith.addf %add3A_608, %mul3A_617 : vector<16x16xf32>
    %slice3A_619 = vector.extract_strided_slice %get3A_546 {offsets = [0, 7], sizes = [16, 1], strides = [1, 1]} : vector<16x16xf32> to vector<16x1xf32>
    %squeeze3A_620 = vector.shape_cast %slice3A_619 : vector<16x1xf32> to vector<16xf32>
    %broadcast_in_dim3A_621 = vector.shape_cast %squeeze3A_620 : vector<16xf32> to vector<16x1xf32>
    %slice3A_622 = vector.extract_strided_slice %get3A_39 {offsets = [7, 0], sizes = [1, 16], strides = [1, 1]} : vector<16x16xf32> to vector<1x16xf32>
    %squeeze3A_623 = vector.shape_cast %slice3A_622 : vector<1x16xf32> to vector<16xf32>
    %broadcast_in_dim3A_624 = vector.shape_cast %squeeze3A_623 : vector<16xf32> to vector<1x16xf32>
    %mul3A_625 = vector.broadcast %broadcast_in_dim3A_621 : vector<16x1xf32> to vector<16x16xf32>
    %mul3A_626 = vector.broadcast %broadcast_in_dim3A_624 : vector<1x16xf32> to vector<16x16xf32>
    %mul3A_627 = arith.mulf %mul3A_625, %mul3A_626 : vector<16x16xf32>
    %add3A_628 = arith.addf %add3A_618, %mul3A_627 : vector<16x16xf32>
    %slice3A_629 = vector.extract_strided_slice %get3A_546 {offsets = [0, 8], sizes = [16, 1], strides = [1, 1]} : vector<16x16xf32> to vector<16x1xf32>
    %squeeze3A_630 = vector.shape_cast %slice3A_629 : vector<16x1xf32> to vector<16xf32>
    %broadcast_in_dim3A_631 = vector.shape_cast %squeeze3A_630 : vector<16xf32> to vector<16x1xf32>
    %slice3A_632 = vector.extract_strided_slice %get3A_39 {offsets = [8, 0], sizes = [1, 16], strides = [1, 1]} : vector<16x16xf32> to vector<1x16xf32>
    %squeeze3A_633 = vector.shape_cast %slice3A_632 : vector<1x16xf32> to vector<16xf32>
    %broadcast_in_dim3A_634 = vector.shape_cast %squeeze3A_633 : vector<16xf32> to vector<1x16xf32>
    %mul3A_635 = vector.broadcast %broadcast_in_dim3A_631 : vector<16x1xf32> to vector<16x16xf32>
    %mul3A_636 = vector.broadcast %broadcast_in_dim3A_634 : vector<1x16xf32> to vector<16x16xf32>
    %mul3A_637 = arith.mulf %mul3A_635, %mul3A_636 : vector<16x16xf32>
    %add3A_638 = arith.addf %add3A_628, %mul3A_637 : vector<16x16xf32>
    %slice3A_639 = vector.extract_strided_slice %get3A_546 {offsets = [0, 9], sizes = [16, 1], strides = [1, 1]} : vector<16x16xf32> to vector<16x1xf32>
    %squeeze3A_640 = vector.shape_cast %slice3A_639 : vector<16x1xf32> to vector<16xf32>
    %broadcast_in_dim3A_641 = vector.shape_cast %squeeze3A_640 : vector<16xf32> to vector<16x1xf32>
    %slice3A_642 = vector.extract_strided_slice %get3A_39 {offsets = [9, 0], sizes = [1, 16], strides = [1, 1]} : vector<16x16xf32> to vector<1x16xf32>
    %squeeze3A_643 = vector.shape_cast %slice3A_642 : vector<1x16xf32> to vector<16xf32>
    %broadcast_in_dim3A_644 = vector.shape_cast %squeeze3A_643 : vector<16xf32> to vector<1x16xf32>
    %mul3A_645 = vector.broadcast %broadcast_in_dim3A_641 : vector<16x1xf32> to vector<16x16xf32>
    %mul3A_646 = vector.broadcast %broadcast_in_dim3A_644 : vector<1x16xf32> to vector<16x16xf32>
    %mul3A_647 = arith.mulf %mul3A_645, %mul3A_646 : vector<16x16xf32>
    %add3A_648 = arith.addf %add3A_638, %mul3A_647 : vector<16x16xf32>
    %slice3A_649 = vector.extract_strided_slice %get3A_546 {offsets = [0, 10], sizes = [16, 1], strides = [1, 1]} : vector<16x16xf32> to vector<16x1xf32>
    %squeeze3A_650 = vector.shape_cast %slice3A_649 : vector<16x1xf32> to vector<16xf32>
    %broadcast_in_dim3A_651 = vector.shape_cast %squeeze3A_650 : vector<16xf32> to vector<16x1xf32>
    %slice3A_652 = vector.extract_strided_slice %get3A_39 {offsets = [10, 0], sizes = [1, 16], strides = [1, 1]} : vector<16x16xf32> to vector<1x16xf32>
    %squeeze3A_653 = vector.shape_cast %slice3A_652 : vector<1x16xf32> to vector<16xf32>
    %broadcast_in_dim3A_654 = vector.shape_cast %squeeze3A_653 : vector<16xf32> to vector<1x16xf32>
    %mul3A_655 = vector.broadcast %broadcast_in_dim3A_651 : vector<16x1xf32> to vector<16x16xf32>
    %mul3A_656 = vector.broadcast %broadcast_in_dim3A_654 : vector<1x16xf32> to vector<16x16xf32>
    %mul3A_657 = arith.mulf %mul3A_655, %mul3A_656 : vector<16x16xf32>
    %add3A_658 = arith.addf %add3A_648, %mul3A_657 : vector<16x16xf32>
    %slice3A_659 = vector.extract_strided_slice %get3A_546 {offsets = [0, 11], sizes = [16, 1], strides = [1, 1]} : vector<16x16xf32> to vector<16x1xf32>
    %squeeze3A_660 = vector.shape_cast %slice3A_659 : vector<16x1xf32> to vector<16xf32>
    %broadcast_in_dim3A_661 = vector.shape_cast %squeeze3A_660 : vector<16xf32> to vector<16x1xf32>
    %slice3A_662 = vector.extract_strided_slice %get3A_39 {offsets = [11, 0], sizes = [1, 16], strides = [1, 1]} : vector<16x16xf32> to vector<1x16xf32>
    %squeeze3A_663 = vector.shape_cast %slice3A_662 : vector<1x16xf32> to vector<16xf32>
    %broadcast_in_dim3A_664 = vector.shape_cast %squeeze3A_663 : vector<16xf32> to vector<1x16xf32>
    %mul3A_665 = vector.broadcast %broadcast_in_dim3A_661 : vector<16x1xf32> to vector<16x16xf32>
    %mul3A_666 = vector.broadcast %broadcast_in_dim3A_664 : vector<1x16xf32> to vector<16x16xf32>
    %mul3A_667 = arith.mulf %mul3A_665, %mul3A_666 : vector<16x16xf32>
    %add3A_668 = arith.addf %add3A_658, %mul3A_667 : vector<16x16xf32>
    %slice3A_669 = vector.extract_strided_slice %get3A_546 {offsets = [0, 12], sizes = [16, 1], strides = [1, 1]} : vector<16x16xf32> to vector<16x1xf32>
    %squeeze3A_670 = vector.shape_cast %slice3A_669 : vector<16x1xf32> to vector<16xf32>
    %broadcast_in_dim3A_671 = vector.shape_cast %squeeze3A_670 : vector<16xf32> to vector<16x1xf32>
    %slice3A_672 = vector.extract_strided_slice %get3A_39 {offsets = [12, 0], sizes = [1, 16], strides = [1, 1]} : vector<16x16xf32> to vector<1x16xf32>
    %squeeze3A_673 = vector.shape_cast %slice3A_672 : vector<1x16xf32> to vector<16xf32>
    %broadcast_in_dim3A_674 = vector.shape_cast %squeeze3A_673 : vector<16xf32> to vector<1x16xf32>
    %mul3A_675 = vector.broadcast %broadcast_in_dim3A_671 : vector<16x1xf32> to vector<16x16xf32>
    %mul3A_676 = vector.broadcast %broadcast_in_dim3A_674 : vector<1x16xf32> to vector<16x16xf32>
    %mul3A_677 = arith.mulf %mul3A_675, %mul3A_676 : vector<16x16xf32>
    %add3A_678 = arith.addf %add3A_668, %mul3A_677 : vector<16x16xf32>
    %slice3A_679 = vector.extract_strided_slice %get3A_546 {offsets = [0, 13], sizes = [16, 1], strides = [1, 1]} : vector<16x16xf32> to vector<16x1xf32>
    %squeeze3A_680 = vector.shape_cast %slice3A_679 : vector<16x1xf32> to vector<16xf32>
    %broadcast_in_dim3A_681 = vector.shape_cast %squeeze3A_680 : vector<16xf32> to vector<16x1xf32>
    %slice3A_682 = vector.extract_strided_slice %get3A_39 {offsets = [13, 0], sizes = [1, 16], strides = [1, 1]} : vector<16x16xf32> to vector<1x16xf32>
    %squeeze3A_683 = vector.shape_cast %slice3A_682 : vector<1x16xf32> to vector<16xf32>
    %broadcast_in_dim3A_684 = vector.shape_cast %squeeze3A_683 : vector<16xf32> to vector<1x16xf32>
    %mul3A_685 = vector.broadcast %broadcast_in_dim3A_681 : vector<16x1xf32> to vector<16x16xf32>
    %mul3A_686 = vector.broadcast %broadcast_in_dim3A_684 : vector<1x16xf32> to vector<16x16xf32>
    %mul3A_687 = arith.mulf %mul3A_685, %mul3A_686 : vector<16x16xf32>
    %add3A_688 = arith.addf %add3A_678, %mul3A_687 : vector<16x16xf32>
    %slice3A_689 = vector.extract_strided_slice %get3A_546 {offsets = [0, 14], sizes = [16, 1], strides = [1, 1]} : vector<16x16xf32> to vector<16x1xf32>
    %squeeze3A_690 = vector.shape_cast %slice3A_689 : vector<16x1xf32> to vector<16xf32>
    %broadcast_in_dim3A_691 = vector.shape_cast %squeeze3A_690 : vector<16xf32> to vector<16x1xf32>
    %slice3A_692 = vector.extract_strided_slice %get3A_39 {offsets = [14, 0], sizes = [1, 16], strides = [1, 1]} : vector<16x16xf32> to vector<1x16xf32>
    %squeeze3A_693 = vector.shape_cast %slice3A_692 : vector<1x16xf32> to vector<16xf32>
    %broadcast_in_dim3A_694 = vector.shape_cast %squeeze3A_693 : vector<16xf32> to vector<1x16xf32>
    %mul3A_695 = vector.broadcast %broadcast_in_dim3A_691 : vector<16x1xf32> to vector<16x16xf32>
    %mul3A_696 = vector.broadcast %broadcast_in_dim3A_694 : vector<1x16xf32> to vector<16x16xf32>
    %mul3A_697 = arith.mulf %mul3A_695, %mul3A_696 : vector<16x16xf32>
    %add3A_698 = arith.addf %add3A_688, %mul3A_697 : vector<16x16xf32>
    %slice3A_699 = vector.extract_strided_slice %get3A_546 {offsets = [0, 15], sizes = [16, 1], strides = [1, 1]} : vector<16x16xf32> to vector<16x1xf32>
    %squeeze3A_700 = vector.shape_cast %slice3A_699 : vector<16x1xf32> to vector<16xf32>
    %broadcast_in_dim3A_701 = vector.shape_cast %squeeze3A_700 : vector<16xf32> to vector<16x1xf32>
    %slice3A_702 = vector.extract_strided_slice %get3A_39 {offsets = [15, 0], sizes = [1, 16], strides = [1, 1]} : vector<16x16xf32> to vector<1x16xf32>
    %squeeze3A_703 = vector.shape_cast %slice3A_702 : vector<1x16xf32> to vector<16xf32>
    %broadcast_in_dim3A_704 = vector.shape_cast %squeeze3A_703 : vector<16xf32> to vector<1x16xf32>
    %mul3A_705 = vector.broadcast %broadcast_in_dim3A_701 : vector<16x1xf32> to vector<16x16xf32>
    %mul3A_706 = vector.broadcast %broadcast_in_dim3A_704 : vector<1x16xf32> to vector<16x16xf32>
    %mul3A_707 = arith.mulf %mul3A_705, %mul3A_706 : vector<16x16xf32>
    %add3A_708 = arith.addf %add3A_698, %mul3A_707 : vector<16x16xf32>
    %swap3A_709 = arith.constant 0 : index
    %swap3A_710 = arith.constant 0 : index
    %swap3A_711 = vector.load %arg11[%swap3A_709, %swap3A_710] : memref<16x16xf32, #tpu.memory_space<vmem>>, vector<16x16xf32>
    tpu.vector_store %arg11[%swap3A_709, %swap3A_710], %add3A_708 {strides = array<i32>} : memref<16x16xf32, #tpu.memory_space<vmem>>, vector<16x16xf32>,
    return
  }
  func.func @transform_0(%arg0: i32) -> (i32, i32, i32) {
    %c0_i32 = arith.constant 0 : i32
    %c0_i32_0 = arith.constant 0 : i32
    %c0_i32_1 = arith.constant 0 : i32
    return %arg0, %c0_i32, %c0_i32_0 : i32, i32, i32
  }
  func.func @transform_1(%arg0: i32) -> (i32, i32) {
    %c0_i32 = arith.constant 0 : i32
    %c0_i32_0 = arith.constant 0 : i32
    return %arg0, %c0_i32 : i32, i32
  }
  func.func @transform_2(%arg0: i32) -> (i32, i32) {
    %c0_i32 = arith.constant 0 : i32
    %c0_i32_0 = arith.constant 0 : i32
    return %arg0, %c0_i32 : i32, i32
  }
  func.func @transform_3(%arg0: i32) -> (i32, i32) {
    %c0_i32 = arith.constant 0 : i32
    %c0_i32_0 = arith.constant 0 : i32
    %c0_i32_1 = arith.constant 0 : i32
    return %c0_i32, %c0_i32_0 : i32, i32
  }
  func.func @transform_4(%arg0: i32) -> (i32, i32) {
    %c0_i32 = arith.constant 0 : i32
    %c0_i32_0 = arith.constant 0 : i32
    %c0_i32_1 = arith.constant 0 : i32
    return %c0_i32, %c0_i32_0 : i32, i32
  }
  func.func @transform_5(%arg0: i32) -> (i32, i32) {
    %c0_i32 = arith.constant 0 : i32
    %c0_i32_0 = arith.constant 0 : i32
    %c0_i32_1 = arith.constant 0 : i32
    return %c0_i32, %c0_i32_0 : i32, i32
  }
  func.func @transform_6(%arg0: i32) -> (i32, i32) {
    %c0_i32 = arith.constant 0 : i32
    %c0_i32_0 = arith.constant 0 : i32
    return %arg0, %c0_i32 : i32, i32
  }
  func.func @transform_7(%arg0: i32) -> (i32, i32, i32) {
    %c0_i32 = arith.constant 0 : i32
    %c0_i32_0 = arith.constant 0 : i32
    %c0_i32_1 = arith.constant 0 : i32
    return %arg0, %c0_i32, %c0_i32_0 : i32, i32, i32
  }
  func.func @transform_8(%arg0: i32) -> (i32, i32, i32) {
    %c0_i32 = arith.constant 0 : i32
    %c0_i32_0 = arith.constant 0 : i32
    %c0_i32_1 = arith.constant 0 : i32
    return %arg0, %c0_i32, %c0_i32_0 : i32, i32, i32
  }
  func.func @transform_9(%arg0: i32) -> (i32, i32, i32) {
    %c0_i32 = arith.constant 0 : i32
    %c0_i32_0 = arith.constant 0 : i32
    %c0_i32_1 = arith.constant 0 : i32
    return %arg0, %c0_i32, %c0_i32_0 : i32, i32, i32
  }
  func.func @transform_10(%arg0: i32) -> (i32, i32) {
    %c0_i32 = arith.constant 0 : i32
    %c0_i32_0 = arith.constant 0 : i32
    return %arg0, %c0_i32 : i32, i32
  }
}

module attributes {stable_mosaic.version = 14 : i64} {
  func.func @_k6a_body(%arg0: i32, %arg1: memref<1x1024x1xi32, #tpu.memory_space<vmem>>, %arg2: memref<1024x1024xf32, #tpu.memory_space<vmem>>, %arg3: memref<1x2048xf32, #tpu.memory_space<vmem>>, %arg4: memref<1x1xf32, #tpu.memory_space<smem>>, %arg5: memref<1xf32, #tpu.memory_space<smem>>) attributes {dimension_semantics = [#tpu.dimension_semantics<arbitrary>], iteration_bounds = array<i64: 4>, scalar_prefetch = 0 : i64, scratch_operands = 1 : i64, tpu.core_type = #tpu.core_type<tc>, window_params = [{transform_indices = @transform_0, window_bounds = array<i64: 1, 1024, 1>}, {pipeline_mode = #tpu.pipeline_mode<synchronous>, transform_indices = @transform_1, window_bounds = array<i64: 1024, 1024>}, {pipeline_mode = #tpu.pipeline_mode<synchronous>, transform_indices = @transform_2, window_bounds = array<i64: 1, 2048>}, {transform_indices = @transform_3, window_bounds = array<i64: 1, 1>}]} {
    %eq3A = arith.constant 0 : i32
    %eq3A_0 = arith.cmpi eq, %arg0, %eq3A : i32
    %convert_element_type3A = arith.extui %eq3A_0 : i1 to i32
    %cond3A = arith.constant 0 : i32
    %cond3A_1 = arith.cmpi ne, %convert_element_type3A, %cond3A : i32
    scf.if %cond3A_1 {
      %swap3A_50 = arith.constant 0.000000e+00 : f32
      %swap3A_51 = arith.constant 0 : index
      %swap3A_52 = memref.load %arg5[%swap3A_51] : memref<1xf32, #tpu.memory_space<smem>>
      memref.store %swap3A_50, %arg5[%swap3A_51] : memref<1xf32, #tpu.memory_space<smem>>
    } else {
    }
    %get3A = arith.constant 0 : index
    %get3A_2 = arith.constant 0 : index
    %get3A_3 = arith.constant 0 : index
    %get3A_4 = vector.load %arg1[%get3A, %get3A_2, %get3A_3] : memref<1x1024x1xi32, #tpu.memory_space<vmem>>, vector<1x1024x1xi32>
    %get3A_5 = vector.shape_cast %get3A_4 : vector<1x1024x1xi32> to vector<1024x1xi32>
    %convert_element_type3A_6 = arith.sitofp %get3A_5 : vector<1024x1xi32> to vector<1024x1xf32>
    %get3A_7 = arith.constant 0 : index
    %get3A_8 = arith.constant 0 : index
    %get3A_9 = vector.load %arg2[%get3A_7, %get3A_8] : memref<1024x1024xf32, #tpu.memory_space<vmem>>, vector<1024x1024xf32>
    %dot_general3A = arith.constant dense<0.000000e+00> : vector<1024x1xf32>
    %dot_general3A_10 = tpu.matmul %get3A_9, %convert_element_type3A_6, %dot_general3A {dimension_numbers = #tpu.dot_dimension_numbers<[1], [0], [0], [1], [0, 0, 1, 1], [], []>, transpose_lhs_hint = false} : vector<1024x1024xf32>, vector<1024x1xf32>, vector<1024x1xf32> -> vector<1024x1xf32>
    %get3A_11 = arith.constant 0 : index
    %get3A_12 = memref.load %arg5[%get3A_11] : memref<1xf32, #tpu.memory_space<smem>>
    %add3A = vector.broadcast %get3A_12 : f32 to vector<1024x1xf32>
    %add3A_13 = arith.addf %dot_general3A_10, %add3A : vector<1024x1xf32>
    %sub3A = arith.constant 1.000000e+00 : f32
    %sub3A_14 = vector.broadcast %sub3A : f32 to vector<1024x1xf32>
    %sub3A_15 = arith.subf %add3A_13, %sub3A_14 : vector<1024x1xf32>
    %iota3A = tpu.iota {dimensions = array<i32: 1>} : vector<1024x2048xi32>
    %convert_element_type3A_16 = arith.sitofp %iota3A : vector<1024x2048xi32> to vector<1024x2048xf32>
    %eq3A_17 = vector.broadcast %sub3A_15 : vector<1024x1xf32> to vector<1024x2048xf32>
    %eq3A_18 = arith.cmpf oeq, %convert_element_type3A_16, %eq3A_17 : vector<1024x2048xf32>
    %jit3A = arith.constant 1.000000e+00 : f32
    %jit3A_19 = arith.constant 0.000000e+00 : f32
    %broadcast_in_dim3A = vector.broadcast %jit3A : f32 to vector<1024x2048xf32>
    %broadcast_in_dim3A_20 = vector.broadcast %jit3A_19 : f32 to vector<1024x2048xf32>
    %select_n3A = arith.select %eq3A_18, %broadcast_in_dim3A, %broadcast_in_dim3A_20 : vector<1024x2048xi1>, vector<1024x2048xf32>
    %mul3A = vector.broadcast %convert_element_type3A_6 : vector<1024x1xf32> to vector<1024x2048xf32>
    %mul3A_21 = arith.mulf %select_n3A, %mul3A : vector<1024x2048xf32>
    %iota3A_22 = tpu.iota {dimensions = array<i32: 1>} : vector<1x1024xi32>
    %convert_element_type3A_23 = arith.sitofp %iota3A_22 : vector<1x1024xi32> to vector<1x1024xf32>
    %convert_element_type3A_24 = arith.sitofp %arg0 : i32 to f32
    %mul3A_25 = arith.constant 1.024000e+03 : f32
    %mul3A_26 = arith.mulf %mul3A_25, %convert_element_type3A_24 : f32
    %add3A_27 = vector.broadcast %mul3A_26 : f32 to vector<1x1024xf32>
    %add3A_28 = arith.addf %convert_element_type3A_23, %add3A_27 : vector<1x1024xf32>
    %dot_general3A_29 = arith.constant dense<0.000000e+00> : vector<1x2048xf32>
    %dot_general3A_30 = tpu.matmul %add3A_28, %mul3A_21, %dot_general3A_29 {dimension_numbers = #tpu.dot_dimension_numbers<[1], [0], [0], [1], [0, 0, 1, 1], [], []>, transpose_lhs_hint = false} : vector<1x1024xf32>, vector<1024x2048xf32>, vector<1x2048xf32> -> vector<1x2048xf32>
    %eq3A_31 = arith.constant 0 : i32
    %eq3A_32 = arith.cmpi eq, %arg0, %eq3A_31 : i32
    %convert_element_type3A_33 = arith.extui %eq3A_32 : i1 to i32
    %cond3A_34 = arith.constant 0 : i32
    %cond3A_35 = arith.cmpi ne, %convert_element_type3A_33, %cond3A_34 : i32
    scf.if %cond3A_35 {
      %swap3A_50 = arith.constant 0 : index
      %swap3A_51 = arith.constant 0 : index
      %swap3A_52 = vector.load %arg3[%swap3A_50, %swap3A_51] : memref<1x2048xf32, #tpu.memory_space<vmem>>, vector<1x2048xf32>
      tpu.vector_store %arg3[%swap3A_50, %swap3A_51], %dot_general3A_30 {strides = array<i32>} : memref<1x2048xf32, #tpu.memory_space<vmem>>, vector<1x2048xf32>,
    } else {
    }
    %gt3A = arith.constant 0 : i32
    %gt3A_36 = arith.cmpi sgt, %arg0, %gt3A : i32
    %convert_element_type3A_37 = arith.extui %gt3A_36 : i1 to i32
    %cond3A_38 = arith.constant 0 : i32
    %cond3A_39 = arith.cmpi ne, %convert_element_type3A_37, %cond3A_38 : i32
    scf.if %cond3A_39 {
      %get3A_50 = arith.constant 0 : index
      %get3A_51 = arith.constant 0 : index
      %get3A_52 = vector.load %arg3[%get3A_50, %get3A_51] : memref<1x2048xf32, #tpu.memory_space<vmem>>, vector<1x2048xf32>
      %add3A_53 = arith.addf %get3A_52, %dot_general3A_30 : vector<1x2048xf32>
      %swap3A_54 = arith.constant 0 : index
      %swap3A_55 = arith.constant 0 : index
      %swap3A_56 = vector.load %arg3[%swap3A_54, %swap3A_55] : memref<1x2048xf32, #tpu.memory_space<vmem>>, vector<1x2048xf32>
      tpu.vector_store %arg3[%swap3A_54, %swap3A_55], %add3A_53 {strides = array<i32>} : memref<1x2048xf32, #tpu.memory_space<vmem>>, vector<1x2048xf32>,
    } else {
    }
    %reduce_sum3A = vector.shape_cast %convert_element_type3A_6 : vector<1024x1xf32> to vector<1x1024x1xf32>
    %reduce_sum3A_40 = arith.constant dense<0.000000e+00> : vector<1xf32>
    %reduce_sum3A_41 = vector.multi_reduction <add>, %reduce_sum3A, %reduce_sum3A_40 [1, 2] : vector<1x1024x1xf32> to vector<1xf32>
    %reduce_sum3A_42 = vector.shape_cast %reduce_sum3A_41 : vector<1xf32> to vector<1x1x1xf32>
    %reduce_sum3A_43 = vector.extract %reduce_sum3A_42[0, 0, 0] : f32 from vector<1x1x1xf32>
    %add3A_44 = arith.addf %get3A_12, %reduce_sum3A_43 : f32
    %swap3A = arith.constant 0 : index
    %swap3A_45 = memref.load %arg5[%swap3A] : memref<1xf32, #tpu.memory_space<smem>>
    memref.store %add3A_44, %arg5[%swap3A] : memref<1xf32, #tpu.memory_space<smem>>
    %add3A_46 = arith.addf %get3A_12, %reduce_sum3A_43 : f32
    %swap3A_47 = arith.constant 0 : index
    %swap3A_48 = arith.constant 0 : index
    %swap3A_49 = memref.load %arg4[%swap3A_47, %swap3A_48] : memref<1x1xf32, #tpu.memory_space<smem>>
    memref.store %add3A_46, %arg4[%swap3A_47, %swap3A_48] : memref<1x1xf32, #tpu.memory_space<smem>>
    return
  }
  func.func @transform_0(%arg0: i32) -> (i32, i32, i32) {
    %c0_i32 = arith.constant 0 : i32
    %c0_i32_0 = arith.constant 0 : i32
    %c0_i32_1 = arith.constant 0 : i32
    return %arg0, %c0_i32, %c0_i32_0 : i32, i32, i32
  }
  func.func @transform_1(%arg0: i32) -> (i32, i32) {
    %c0_i32 = arith.constant 0 : i32
    %c0_i32_0 = arith.constant 0 : i32
    %c0_i32_1 = arith.constant 0 : i32
    return %c0_i32, %c0_i32_0 : i32, i32
  }
  func.func @transform_2(%arg0: i32) -> (i32, i32) {
    %c0_i32 = arith.constant 0 : i32
    %c0_i32_0 = arith.constant 0 : i32
    %c0_i32_1 = arith.constant 0 : i32
    return %c0_i32, %c0_i32_0 : i32, i32
  }
  func.func @transform_3(%arg0: i32) -> (i32, i32) {
    %c0_i32 = arith.constant 0 : i32
    %c0_i32_0 = arith.constant 0 : i32
    %c0_i32_1 = arith.constant 0 : i32
    return %c0_i32, %c0_i32_0 : i32, i32
  }
}

module attributes {stable_mosaic.version = 14 : i64} {
  func.func @_k6b_body(%arg0: i32, %arg1: memref<1x2048xf32, #tpu.memory_space<vmem>>, %arg2: memref<1x1xf32, #tpu.memory_space<smem>>, %arg3: memref<1x1024x1xf32, #tpu.memory_space<vmem>>) attributes {dimension_semantics = [#tpu.dimension_semantics<arbitrary>], iteration_bounds = array<i64: 4>, scalar_prefetch = 0 : i64, scratch_operands = 0 : i64, tpu.core_type = #tpu.core_type<tc>, window_params = [{pipeline_mode = #tpu.pipeline_mode<synchronous>, transform_indices = @transform_0, window_bounds = array<i64: 1, 2048>}, {transform_indices = @transform_1, window_bounds = array<i64: 1, 1>}, {transform_indices = @transform_2, window_bounds = array<i64: 1, 1024, 1>}]} {
    %get3A = arith.constant 0 : index
    %get3A_0 = arith.constant 0 : index
    %get3A_1 = vector.load %arg1[%get3A, %get3A_0] : memref<1x2048xf32, #tpu.memory_space<vmem>>, vector<1x2048xf32>
    %get3A_2 = arith.constant 0 : index
    %get3A_3 = arith.constant 0 : index
    %get3A_4 = memref.load %arg2[%get3A_2, %get3A_3] : memref<1x1xf32, #tpu.memory_space<smem>>
    %iota3A = tpu.iota {dimensions = array<i32: 1>} : vector<1x2048xi32>
    %convert_element_type3A = arith.sitofp %iota3A : vector<1x2048xi32> to vector<1x2048xf32>
    %lt3A = vector.broadcast %get3A_4 : f32 to vector<1x2048xf32>
    %lt3A_5 = arith.cmpf olt, %convert_element_type3A, %lt3A : vector<1x2048xf32>
    %ne3A = arith.constant 0.000000e+00 : f32
    %ne3A_6 = vector.broadcast %ne3A : f32 to vector<1x2048xf32>
    %ne3A_7 = arith.cmpf one, %get3A_1, %ne3A_6 : vector<1x2048xf32>
    %and3A = arith.andi %lt3A_5, %ne3A_7 : vector<1x2048xi1>
    %eq3A = arith.constant 2.047000e+03 : f32
    %eq3A_8 = vector.broadcast %eq3A : f32 to vector<1x2048xf32>
    %eq3A_9 = arith.cmpf oeq, %convert_element_type3A, %eq3A_8 : vector<1x2048xf32>
    %or3A = arith.ori %and3A, %eq3A_9 : vector<1x2048xi1>
    %eq3A_10 = arith.constant 2.048000e+03 : f32
    %eq3A_11 = arith.cmpf oeq, %get3A_4, %eq3A_10 : f32
    %or3A_12 = vector.broadcast %eq3A_11 : i1 to vector<1x2048xi1>
    %or3A_13 = arith.ori %or3A, %or3A_12 : vector<1x2048xi1>
    %convert_element_type3A_14 = arith.extui %or3A_13 : vector<1x2048xi1> to vector<1x2048xi32>
    %convert_element_type3A_15 = arith.sitofp %convert_element_type3A_14 : vector<1x2048xi32> to vector<1x2048xf32>
    %iota3A_16 = tpu.iota {dimensions = array<i32: 0>} : vector<1024x2048xi32>
    %convert_element_type3A_17 = arith.sitofp %iota3A_16 : vector<1024x2048xi32> to vector<1024x2048xf32>
    %convert_element_type3A_18 = arith.sitofp %arg0 : i32 to f32
    %mul3A = arith.constant 1.024000e+03 : f32
    %mul3A_19 = arith.mulf %mul3A, %convert_element_type3A_18 : f32
    %add3A = vector.broadcast %mul3A_19 : f32 to vector<1024x2048xf32>
    %add3A_20 = arith.addf %convert_element_type3A_17, %add3A : vector<1024x2048xf32>
    %eq3A_21 = vector.broadcast %get3A_1 : vector<1x2048xf32> to vector<1024x2048xf32>
    %eq3A_22 = arith.cmpf oeq, %add3A_20, %eq3A_21 : vector<1024x2048xf32>
    %jit3A = arith.constant 1.000000e+00 : f32
    %jit3A_23 = arith.constant 0.000000e+00 : f32
    %broadcast_in_dim3A = vector.broadcast %jit3A : f32 to vector<1024x2048xf32>
    %broadcast_in_dim3A_24 = vector.broadcast %jit3A_23 : f32 to vector<1024x2048xf32>
    %select_n3A = arith.select %eq3A_22, %broadcast_in_dim3A, %broadcast_in_dim3A_24 : vector<1024x2048xi1>, vector<1024x2048xf32>
    %mul3A_25 = vector.broadcast %convert_element_type3A_15 : vector<1x2048xf32> to vector<1024x2048xf32>
    %mul3A_26 = arith.mulf %select_n3A, %mul3A_25 : vector<1024x2048xf32>
    %broadcast_in_dim3A_27 = arith.constant 1.000000e+00 : f32
    %broadcast_in_dim3A_28 = vector.broadcast %broadcast_in_dim3A_27 : f32 to vector<2048x1xf32>
    %iota3A_29 = tpu.iota {dimensions = array<i32: 0>} : vector<2048x1xi32>
    %convert_element_type3A_30 = arith.sitofp %iota3A_29 : vector<2048x1xi32> to vector<2048x1xf32>
    %add3A_31 = arith.constant 4.096000e+03 : f32
    %add3A_32 = vector.broadcast %add3A_31 : f32 to vector<2048x1xf32>
    %add3A_33 = arith.addf %convert_element_type3A_30, %add3A_32 : vector<2048x1xf32>
    %dot_general3A = arith.constant dense<0.000000e+00> : vector<1024x1xf32>
    %dot_general3A_34 = tpu.matmul %mul3A_26, %broadcast_in_dim3A_28, %dot_general3A {dimension_numbers = #tpu.dot_dimension_numbers<[1], [0], [0], [1], [0, 0, 1, 1], [], []>, transpose_lhs_hint = false} : vector<1024x2048xf32>, vector<2048x1xf32>, vector<1024x1xf32> -> vector<1024x1xf32>
    %dot_general3A_35 = arith.constant dense<0.000000e+00> : vector<1024x1xf32>
    %dot_general3A_36 = tpu.matmul %mul3A_26, %add3A_33, %dot_general3A_35 {dimension_numbers = #tpu.dot_dimension_numbers<[1], [0], [0], [1], [0, 0, 1, 1], [], []>, transpose_lhs_hint = false} : vector<1024x2048xf32>, vector<2048x1xf32>, vector<1024x1xf32> -> vector<1024x1xf32>
    %iota3A_37 = tpu.iota {dimensions = array<i32: 0>} : vector<1024x1xi32>
    %convert_element_type3A_38 = arith.sitofp %iota3A_37 : vector<1024x1xi32> to vector<1024x1xf32>
    %convert_element_type3A_39 = arith.sitofp %arg0 : i32 to f32
    %mul3A_40 = arith.constant 1.024000e+03 : f32
    %mul3A_41 = arith.mulf %mul3A_40, %convert_element_type3A_39 : f32
    %add3A_42 = vector.broadcast %mul3A_41 : f32 to vector<1024x1xf32>
    %add3A_43 = arith.addf %convert_element_type3A_38, %add3A_42 : vector<1024x1xf32>
    %sub3A = arith.constant 1.000000e+00 : f32
    %sub3A_44 = vector.broadcast %sub3A : f32 to vector<1024x1xf32>
    %sub3A_45 = arith.subf %sub3A_44, %dot_general3A_34 : vector<1024x1xf32>
    %mul3A_46 = arith.mulf %add3A_43, %sub3A_45 : vector<1024x1xf32>
    %add3A_47 = arith.addf %mul3A_46, %dot_general3A_36 : vector<1024x1xf32>
    %swap3A = arith.constant 0 : index
    %swap3A_48 = arith.constant 0 : index
    %swap3A_49 = arith.constant 0 : index
    %swap3A_50 = vector.load %arg3[%swap3A, %swap3A_48, %swap3A_49] : memref<1x1024x1xf32, #tpu.memory_space<vmem>>, vector<1x1024x1xf32>
    %swap3A_51 = vector.shape_cast %swap3A_50 : vector<1x1024x1xf32> to vector<1024x1xf32>
    %swap3A_52 = vector.shape_cast %add3A_47 : vector<1024x1xf32> to vector<1x1024x1xf32>
    tpu.vector_store %arg3[%swap3A, %swap3A_48, %swap3A_49], %swap3A_52 {strides = array<i32>} : memref<1x1024x1xf32, #tpu.memory_space<vmem>>, vector<1x1024x1xf32>,
    return
  }
  func.func @transform_0(%arg0: i32) -> (i32, i32) {
    %c0_i32 = arith.constant 0 : i32
    %c0_i32_0 = arith.constant 0 : i32
    %c0_i32_1 = arith.constant 0 : i32
    return %c0_i32, %c0_i32_0 : i32, i32
  }
  func.func @transform_1(%arg0: i32) -> (i32, i32) {
    %c0_i32 = arith.constant 0 : i32
    %c0_i32_0 = arith.constant 0 : i32
    %c0_i32_1 = arith.constant 0 : i32
    return %c0_i32, %c0_i32_0 : i32, i32
  }
  func.func @transform_2(%arg0: i32) -> (i32, i32, i32) {
    %c0_i32 = arith.constant 0 : i32
    %c0_i32_0 = arith.constant 0 : i32
    %c0_i32_1 = arith.constant 0 : i32
    return %arg0, %c0_i32, %c0_i32_0 : i32, i32, i32
  }
}

module attributes {stable_mosaic.version = 14 : i64} {
  func.func @_k3_body(%arg0: i32, %arg1: memref<2048x2xf32, #tpu.memory_space<vmem>>, %arg2: memref<2048x2xf32, #tpu.memory_space<vmem>>, %arg3: memref<2048x32xf32, #tpu.memory_space<vmem>>, %arg4: memref<2048x32xf32, #tpu.memory_space<vmem>>, %arg5: memref<256x24xf32, #tpu.memory_space<vmem>>, %arg6: memref<2x256xf32, #tpu.memory_space<vmem>>, %arg7: memref<1x256xf32, #tpu.memory_space<vmem>>, %arg8: memref<6x256x256xbf16, #tpu.memory_space<vmem>>, %arg9: memref<6x256xf32, #tpu.memory_space<vmem>>, %arg10: memref<32x256xbf16, #tpu.memory_space<vmem>>, %arg11: memref<1x256xf32, #tpu.memory_space<vmem>>, %arg12: memref<256x256xbf16, #tpu.memory_space<vmem>>, %arg13: memref<256x256xbf16, #tpu.memory_space<vmem>>, %arg14: memref<1x256xf32, #tpu.memory_space<vmem>>, %arg15: memref<256x256xbf16, #tpu.memory_space<vmem>>, %arg16: memref<1x256xf32, #tpu.memory_space<vmem>>, %arg17: memref<256x12xbf16, #tpu.memory_space<vmem>>, %arg18: memref<1x12xf32, #tpu.memory_space<vmem>>, %arg19: memref<256x256xbf16, #tpu.memory_space<vmem>>, %arg20: memref<1x256xf32, #tpu.memory_space<vmem>>, %arg21: memref<256x20xbf16, #tpu.memory_space<vmem>>, %arg22: memref<1x20xf32, #tpu.memory_space<vmem>>, %arg23: memref<256x2xf32, #tpu.memory_space<vmem>>, %arg24: memref<1x24xf32, #tpu.memory_space<vmem>>, %arg25: memref<12x24xbf16, #tpu.memory_space<vmem>>, %arg26: memref<2x24xbf16, #tpu.memory_space<vmem>>, %arg27: memref<20x480xbf16, #tpu.memory_space<vmem>>, %arg28: memref<24x480xbf16, #tpu.memory_space<vmem>>, %arg29: memref<256x2048xbf16, #tpu.memory_space<vmem>>, %arg30: memref<256x480xf32, #tpu.memory_space<vmem>>) attributes {dimension_semantics = [#tpu.dimension_semantics<arbitrary>], iteration_bounds = array<i64: 8>, scalar_prefetch = 0 : i64, scratch_operands = 0 : i64, tpu.core_type = #tpu.core_type<tc>, window_params = [{transform_indices = @transform_0, window_bounds = array<i64: 2048, 2>}, {transform_indices = @transform_1, window_bounds = array<i64: 2048, 2>}, {transform_indices = @transform_2, window_bounds = array<i64: 2048, 32>}, {transform_indices = @transform_3, window_bounds = array<i64: 2048, 32>}, {transform_indices = @transform_4, window_bounds = array<i64: 256, 24>}, {pipeline_mode = #tpu.pipeline_mode<synchronous>, transform_indices = @transform_5, window_bounds = array<i64: 2, 256>}, {pipeline_mode = #tpu.pipeline_mode<synchronous>, transform_indices = @transform_6, window_bounds = array<i64: 1, 256>}, {pipeline_mode = #tpu.pipeline_mode<synchronous>, transform_indices = @transform_7, window_bounds = array<i64: 6, 256, 256>}, {pipeline_mode = #tpu.pipeline_mode<synchronous>, transform_indices = @transform_8, window_bounds = array<i64: 6, 256>}, {pipeline_mode = #tpu.pipeline_mode<synchronous>, transform_indices = @transform_9, window_bounds = array<i64: 32, 256>}, {pipeline_mode = #tpu.pipeline_mode<synchronous>, transform_indices = @transform_10, window_bounds = array<i64: 1, 256>}, {pipeline_mode = #tpu.pipeline_mode<synchronous>, transform_indices = @transform_11, window_bounds = array<i64: 256, 256>}, {pipeline_mode = #tpu.pipeline_mode<synchronous>, transform_indices = @transform_12, window_bounds = array<i64: 256, 256>}, {pipeline_mode = #tpu.pipeline_mode<synchronous>, transform_indices = @transform_13, window_bounds = array<i64: 1, 256>}, {pipeline_mode = #tpu.pipeline_mode<synchronous>, transform_indices = @transform_14, window_bounds = array<i64: 256, 256>}, {pipeline_mode = #tpu.pipeline_mode<synchronous>, transform_indices = @transform_15, window_bounds = array<i64: 1, 256>}, {pipeline_mode = #tpu.pipeline_mode<synchronous>, transform_indices = @transform_16, window_bounds = array<i64: 256, 12>}, {pipeline_mode = #tpu.pipeline_mode<synchronous>, transform_indices = @transform_17, window_bounds = array<i64: 1, 12>}, {pipeline_mode = #tpu.pipeline_mode<synchronous>, transform_indices = @transform_18, window_bounds = array<i64: 256, 256>}, {pipeline_mode = #tpu.pipeline_mode<synchronous>, transform_indices = @transform_19, window_bounds = array<i64: 1, 256>}, {pipeline_mode = #tpu.pipeline_mode<synchronous>, transform_indices = @transform_20, window_bounds = array<i64: 256, 20>}, {pipeline_mode = #tpu.pipeline_mode<synchronous>, transform_indices = @transform_21, window_bounds = array<i64: 1, 20>}, {pipeline_mode = #tpu.pipeline_mode<synchronous>, transform_indices = @transform_22, window_bounds = array<i64: 256, 2>}, {pipeline_mode = #tpu.pipeline_mode<synchronous>, transform_indices = @transform_23, window_bounds = array<i64: 1, 24>}, {pipeline_mode = #tpu.pipeline_mode<synchronous>, transform_indices = @transform_24, window_bounds = array<i64: 12, 24>}, {pipeline_mode = #tpu.pipeline_mode<synchronous>, transform_indices = @transform_25, window_bounds = array<i64: 2, 24>}, {pipeline_mode = #tpu.pipeline_mode<synchronous>, transform_indices = @transform_26, window_bounds = array<i64: 20, 480>}, {pipeline_mode = #tpu.pipeline_mode<synchronous>, transform_indices = @transform_27, window_bounds = array<i64: 24, 480>}, {pipeline_mode = #tpu.pipeline_mode<synchronous>, transform_indices = @transform_28, window_bounds = array<i64: 256, 2048>}, {transform_indices = @transform_29, window_bounds = array<i64: 256, 480>}]} {
    %get3A = arith.constant 0 : index
    %get3A_0 = arith.constant 0 : index
    %get3A_1 = vector.load %arg6[%get3A, %get3A_0] : memref<2x256xf32, #tpu.memory_space<vmem>>, vector<2x256xf32>
    %get3A_2 = arith.constant 0 : index
    %get3A_3 = arith.constant 0 : index
    %get3A_4 = vector.load %arg7[%get3A_2, %get3A_3] : memref<1x256xf32, #tpu.memory_space<vmem>>, vector<1x256xf32>
    %get3A_5 = arith.constant 0 : index
    %get3A_6 = arith.constant 0 : index
    %get3A_7 = vector.load %arg11[%get3A_5, %get3A_6] : memref<1x256xf32, #tpu.memory_space<vmem>>, vector<1x256xf32>
    %get3A_8 = arith.constant 0 : index
    %get3A_9 = arith.constant 0 : index
    %get3A_10 = vector.load %arg14[%get3A_8, %get3A_9] : memref<1x256xf32, #tpu.memory_space<vmem>>, vector<1x256xf32>
    %get3A_11 = arith.constant 0 : index
    %get3A_12 = arith.constant 0 : index
    %get3A_13 = vector.load %arg1[%get3A_11, %get3A_12] : memref<2048x2xf32, #tpu.memory_space<vmem>>, vector<2048x2xf32>
    %get3A_14 = arith.constant 0 : index
    %get3A_15 = arith.constant 0 : index
    %get3A_16 = vector.load %arg3[%get3A_14, %get3A_15] : memref<2048x32xf32, #tpu.memory_space<vmem>>, vector<2048x32xf32>
    %dot_general3A = arith.constant dense<0.000000e+00> : vector<2048x256xf32>
    %dot_general3A_17 = tpu.matmul %get3A_13, %get3A_1, %dot_general3A {dimension_numbers = #tpu.dot_dimension_numbers<[1], [0], [0], [1], [0, 0, 1, 1], [], []>, transpose_lhs_hint = false} : vector<2048x2xf32>, vector<2x256xf32>, vector<2048x256xf32> -> vector<2048x256xf32>
    %add3A = vector.broadcast %get3A_4 : vector<1x256xf32> to vector<2048x256xf32>
    %add3A_18 = arith.addf %dot_general3A_17, %add3A : vector<2048x256xf32>
    %tanh3A = math.tanh %add3A_18 : vector<2048x256xf32>
    %convert_element_type3A = arith.truncf %tanh3A : vector<2048x256xf32> to vector<2048x256xbf16>
    %get3A_19 = arith.constant 0 : index
    %get3A_20 = arith.constant 0 : index
    %get3A_21 = arith.constant 0 : index
    %get3A_22 = vector.load %arg8[%get3A_19, %get3A_20, %get3A_21] : memref<6x256x256xbf16, #tpu.memory_space<vmem>>, vector<1x256x256xbf16>
    %get3A_23 = vector.shape_cast %get3A_22 : vector<1x256x256xbf16> to vector<256x256xbf16>
    %dot_general3A_24 = arith.constant dense<0.000000e+00> : vector<2048x256xf32>
    %dot_general3A_25 = tpu.matmul %convert_element_type3A, %get3A_23, %dot_general3A_24 {dimension_numbers = #tpu.dot_dimension_numbers<[1], [0], [0], [1], [0, 0, 1, 1], [], []>, transpose_lhs_hint = false} : vector<2048x256xbf16>, vector<256x256xbf16>, vector<2048x256xf32> -> vector<2048x256xf32>
    %get3A_26 = arith.constant 0 : index
    %get3A_27 = arith.constant 0 : index
    %get3A_28 = vector.load %arg9[%get3A_26, %get3A_27] : memref<6x256xf32, #tpu.memory_space<vmem>>, vector<1x256xf32>
    %get3A_29 = vector.shape_cast %get3A_28 : vector<1x256xf32> to vector<256xf32>
    %broadcast_in_dim3A = vector.shape_cast %get3A_29 : vector<256xf32> to vector<1x256xf32>
    %add3A_30 = vector.broadcast %broadcast_in_dim3A : vector<1x256xf32> to vector<2048x256xf32>
    %add3A_31 = arith.addf %dot_general3A_25, %add3A_30 : vector<2048x256xf32>
    %max3A = arith.constant 0.000000e+00 : f32
    %max3A_32 = vector.broadcast %max3A : f32 to vector<2048x256xf32>
    %max3A_33 = arith.maximumf %add3A_31, %max3A_32 : vector<2048x256xf32>
    %convert_element_type3A_34 = arith.truncf %max3A_33 : vector<2048x256xf32> to vector<2048x256xbf16>
    %get3A_35 = arith.constant 1 : index
    %get3A_36 = arith.constant 0 : index
    %get3A_37 = arith.constant 0 : index
    %get3A_38 = vector.load %arg8[%get3A_35, %get3A_36, %get3A_37] : memref<6x256x256xbf16, #tpu.memory_space<vmem>>, vector<1x256x256xbf16>
    %get3A_39 = vector.shape_cast %get3A_38 : vector<1x256x256xbf16> to vector<256x256xbf16>
    %dot_general3A_40 = arith.constant dense<0.000000e+00> : vector<2048x256xf32>
    %dot_general3A_41 = tpu.matmul %convert_element_type3A_34, %get3A_39, %dot_general3A_40 {dimension_numbers = #tpu.dot_dimension_numbers<[1], [0], [0], [1], [0, 0, 1, 1], [], []>, transpose_lhs_hint = false} : vector<2048x256xbf16>, vector<256x256xbf16>, vector<2048x256xf32> -> vector<2048x256xf32>
    %get3A_42 = arith.constant 1 : index
    %get3A_43 = arith.constant 0 : index
    %get3A_44 = vector.load %arg9[%get3A_42, %get3A_43] : memref<6x256xf32, #tpu.memory_space<vmem>>, vector<1x256xf32>
    %get3A_45 = vector.shape_cast %get3A_44 : vector<1x256xf32> to vector<256xf32>
    %broadcast_in_dim3A_46 = vector.shape_cast %get3A_45 : vector<256xf32> to vector<1x256xf32>
    %add3A_47 = vector.broadcast %broadcast_in_dim3A_46 : vector<1x256xf32> to vector<2048x256xf32>
    %add3A_48 = arith.addf %dot_general3A_41, %add3A_47 : vector<2048x256xf32>
    %max3A_49 = arith.constant 0.000000e+00 : f32
    %max3A_50 = vector.broadcast %max3A_49 : f32 to vector<2048x256xf32>
    %max3A_51 = arith.maximumf %add3A_48, %max3A_50 : vector<2048x256xf32>
    %convert_element_type3A_52 = arith.truncf %max3A_51 : vector<2048x256xf32> to vector<2048x256xbf16>
    %get3A_53 = arith.constant 2 : index
    %get3A_54 = arith.constant 0 : index
    %get3A_55 = arith.constant 0 : index
    %get3A_56 = vector.load %arg8[%get3A_53, %get3A_54, %get3A_55] : memref<6x256x256xbf16, #tpu.memory_space<vmem>>, vector<1x256x256xbf16>
    %get3A_57 = vector.shape_cast %get3A_56 : vector<1x256x256xbf16> to vector<256x256xbf16>
    %dot_general3A_58 = arith.constant dense<0.000000e+00> : vector<2048x256xf32>
    %dot_general3A_59 = tpu.matmul %convert_element_type3A_52, %get3A_57, %dot_general3A_58 {dimension_numbers = #tpu.dot_dimension_numbers<[1], [0], [0], [1], [0, 0, 1, 1], [], []>, transpose_lhs_hint = false} : vector<2048x256xbf16>, vector<256x256xbf16>, vector<2048x256xf32> -> vector<2048x256xf32>
    %get3A_60 = arith.constant 2 : index
    %get3A_61 = arith.constant 0 : index
    %get3A_62 = vector.load %arg9[%get3A_60, %get3A_61] : memref<6x256xf32, #tpu.memory_space<vmem>>, vector<1x256xf32>
    %get3A_63 = vector.shape_cast %get3A_62 : vector<1x256xf32> to vector<256xf32>
    %broadcast_in_dim3A_64 = vector.shape_cast %get3A_63 : vector<256xf32> to vector<1x256xf32>
    %add3A_65 = vector.broadcast %broadcast_in_dim3A_64 : vector<1x256xf32> to vector<2048x256xf32>
    %add3A_66 = arith.addf %dot_general3A_59, %add3A_65 : vector<2048x256xf32>
    %max3A_67 = arith.constant 0.000000e+00 : f32
    %max3A_68 = vector.broadcast %max3A_67 : f32 to vector<2048x256xf32>
    %max3A_69 = arith.maximumf %add3A_66, %max3A_68 : vector<2048x256xf32>
    %convert_element_type3A_70 = arith.truncf %max3A_69 : vector<2048x256xf32> to vector<2048x256xbf16>
    %get3A_71 = arith.constant 3 : index
    %get3A_72 = arith.constant 0 : index
    %get3A_73 = arith.constant 0 : index
    %get3A_74 = vector.load %arg8[%get3A_71, %get3A_72, %get3A_73] : memref<6x256x256xbf16, #tpu.memory_space<vmem>>, vector<1x256x256xbf16>
    %get3A_75 = vector.shape_cast %get3A_74 : vector<1x256x256xbf16> to vector<256x256xbf16>
    %dot_general3A_76 = arith.constant dense<0.000000e+00> : vector<2048x256xf32>
    %dot_general3A_77 = tpu.matmul %convert_element_type3A_70, %get3A_75, %dot_general3A_76 {dimension_numbers = #tpu.dot_dimension_numbers<[1], [0], [0], [1], [0, 0, 1, 1], [], []>, transpose_lhs_hint = false} : vector<2048x256xbf16>, vector<256x256xbf16>, vector<2048x256xf32> -> vector<2048x256xf32>
    %get3A_78 = arith.constant 3 : index
    %get3A_79 = arith.constant 0 : index
    %get3A_80 = vector.load %arg9[%get3A_78, %get3A_79] : memref<6x256xf32, #tpu.memory_space<vmem>>, vector<1x256xf32>
    %get3A_81 = vector.shape_cast %get3A_80 : vector<1x256xf32> to vector<256xf32>
    %broadcast_in_dim3A_82 = vector.shape_cast %get3A_81 : vector<256xf32> to vector<1x256xf32>
    %add3A_83 = vector.broadcast %broadcast_in_dim3A_82 : vector<1x256xf32> to vector<2048x256xf32>
    %add3A_84 = arith.addf %dot_general3A_77, %add3A_83 : vector<2048x256xf32>
    %max3A_85 = arith.constant 0.000000e+00 : f32
    %max3A_86 = vector.broadcast %max3A_85 : f32 to vector<2048x256xf32>
    %max3A_87 = arith.maximumf %add3A_84, %max3A_86 : vector<2048x256xf32>
    %convert_element_type3A_88 = arith.truncf %max3A_87 : vector<2048x256xf32> to vector<2048x256xbf16>
    %get3A_89 = arith.constant 4 : index
    %get3A_90 = arith.constant 0 : index
    %get3A_91 = arith.constant 0 : index
    %get3A_92 = vector.load %arg8[%get3A_89, %get3A_90, %get3A_91] : memref<6x256x256xbf16, #tpu.memory_space<vmem>>, vector<1x256x256xbf16>
    %get3A_93 = vector.shape_cast %get3A_92 : vector<1x256x256xbf16> to vector<256x256xbf16>
    %dot_general3A_94 = arith.constant dense<0.000000e+00> : vector<2048x256xf32>
    %dot_general3A_95 = tpu.matmul %convert_element_type3A_88, %get3A_93, %dot_general3A_94 {dimension_numbers = #tpu.dot_dimension_numbers<[1], [0], [0], [1], [0, 0, 1, 1], [], []>, transpose_lhs_hint = false} : vector<2048x256xbf16>, vector<256x256xbf16>, vector<2048x256xf32> -> vector<2048x256xf32>
    %get3A_96 = arith.constant 4 : index
    %get3A_97 = arith.constant 0 : index
    %get3A_98 = vector.load %arg9[%get3A_96, %get3A_97] : memref<6x256xf32, #tpu.memory_space<vmem>>, vector<1x256xf32>
    %get3A_99 = vector.shape_cast %get3A_98 : vector<1x256xf32> to vector<256xf32>
    %broadcast_in_dim3A_100 = vector.shape_cast %get3A_99 : vector<256xf32> to vector<1x256xf32>
    %add3A_101 = vector.broadcast %broadcast_in_dim3A_100 : vector<1x256xf32> to vector<2048x256xf32>
    %add3A_102 = arith.addf %dot_general3A_95, %add3A_101 : vector<2048x256xf32>
    %max3A_103 = arith.constant 0.000000e+00 : f32
    %max3A_104 = vector.broadcast %max3A_103 : f32 to vector<2048x256xf32>
    %max3A_105 = arith.maximumf %add3A_102, %max3A_104 : vector<2048x256xf32>
    %convert_element_type3A_106 = arith.truncf %max3A_105 : vector<2048x256xf32> to vector<2048x256xbf16>
    %get3A_107 = arith.constant 5 : index
    %get3A_108 = arith.constant 0 : index
    %get3A_109 = arith.constant 0 : index
    %get3A_110 = vector.load %arg8[%get3A_107, %get3A_108, %get3A_109] : memref<6x256x256xbf16, #tpu.memory_space<vmem>>, vector<1x256x256xbf16>
    %get3A_111 = vector.shape_cast %get3A_110 : vector<1x256x256xbf16> to vector<256x256xbf16>
    %dot_general3A_112 = arith.constant dense<0.000000e+00> : vector<2048x256xf32>
    %dot_general3A_113 = tpu.matmul %convert_element_type3A_106, %get3A_111, %dot_general3A_112 {dimension_numbers = #tpu.dot_dimension_numbers<[1], [0], [0], [1], [0, 0, 1, 1], [], []>, transpose_lhs_hint = false} : vector<2048x256xbf16>, vector<256x256xbf16>, vector<2048x256xf32> -> vector<2048x256xf32>
    %get3A_114 = arith.constant 5 : index
    %get3A_115 = arith.constant 0 : index
    %get3A_116 = vector.load %arg9[%get3A_114, %get3A_115] : memref<6x256xf32, #tpu.memory_space<vmem>>, vector<1x256xf32>
    %get3A_117 = vector.shape_cast %get3A_116 : vector<1x256xf32> to vector<256xf32>
    %broadcast_in_dim3A_118 = vector.shape_cast %get3A_117 : vector<256xf32> to vector<1x256xf32>
    %add3A_119 = vector.broadcast %broadcast_in_dim3A_118 : vector<1x256xf32> to vector<2048x256xf32>
    %add3A_120 = arith.addf %dot_general3A_113, %add3A_119 : vector<2048x256xf32>
    %tanh3A_121 = math.tanh %add3A_120 : vector<2048x256xf32>
    %convert_element_type3A_122 = arith.truncf %get3A_16 : vector<2048x32xf32> to vector<2048x32xbf16>
    %get3A_123 = arith.constant 0 : index
    %get3A_124 = arith.constant 0 : index
    %get3A_125 = vector.load %arg10[%get3A_123, %get3A_124] : memref<32x256xbf16, #tpu.memory_space<vmem>>, vector<32x256xbf16>
    %dot_general3A_126 = arith.constant dense<0.000000e+00> : vector<2048x256xf32>
    %dot_general3A_127 = tpu.matmul %convert_element_type3A_122, %get3A_125, %dot_general3A_126 {dimension_numbers = #tpu.dot_dimension_numbers<[1], [0], [0], [1], [0, 0, 1, 1], [], []>, transpose_lhs_hint = false} : vector<2048x32xbf16>, vector<32x256xbf16>, vector<2048x256xf32> -> vector<2048x256xf32>
    %add3A_128 = vector.broadcast %get3A_7 : vector<1x256xf32> to vector<2048x256xf32>
    %add3A_129 = arith.addf %dot_general3A_127, %add3A_128 : vector<2048x256xf32>
    %tanh3A_130 = math.tanh %add3A_129 : vector<2048x256xf32>
    %convert_element_type3A_131 = arith.truncf %tanh3A_121 : vector<2048x256xf32> to vector<2048x256xbf16>
    %get3A_132 = arith.constant 0 : index
    %get3A_133 = arith.constant 0 : index
    %get3A_134 = vector.load %arg12[%get3A_132, %get3A_133] : memref<256x256xbf16, #tpu.memory_space<vmem>>, vector<256x256xbf16>
    %dot_general3A_135 = arith.constant dense<0.000000e+00> : vector<2048x256xf32>
    %dot_general3A_136 = tpu.matmul %convert_element_type3A_131, %get3A_134, %dot_general3A_135 {dimension_numbers = #tpu.dot_dimension_numbers<[1], [0], [0], [1], [0, 0, 1, 1], [], []>, transpose_lhs_hint = false} : vector<2048x256xbf16>, vector<256x256xbf16>, vector<2048x256xf32> -> vector<2048x256xf32>
    %convert_element_type3A_137 = arith.truncf %tanh3A_130 : vector<2048x256xf32> to vector<2048x256xbf16>
    %get3A_138 = arith.constant 0 : index
    %get3A_139 = arith.constant 0 : index
    %get3A_140 = vector.load %arg13[%get3A_138, %get3A_139] : memref<256x256xbf16, #tpu.memory_space<vmem>>, vector<256x256xbf16>
    %dot_general3A_141 = arith.constant dense<0.000000e+00> : vector<2048x256xf32>
    %dot_general3A_142 = tpu.matmul %convert_element_type3A_137, %get3A_140, %dot_general3A_141 {dimension_numbers = #tpu.dot_dimension_numbers<[1], [0], [0], [1], [0, 0, 1, 1], [], []>, transpose_lhs_hint = false} : vector<2048x256xbf16>, vector<256x256xbf16>, vector<2048x256xf32> -> vector<2048x256xf32>
    %add3A_143 = arith.addf %dot_general3A_136, %dot_general3A_142 : vector<2048x256xf32>
    %add3A_144 = vector.broadcast %get3A_10 : vector<1x256xf32> to vector<2048x256xf32>
    %add3A_145 = arith.addf %add3A_143, %add3A_144 : vector<2048x256xf32>
    %tanh3A_146 = math.tanh %add3A_145 : vector<2048x256xf32>
    %get3A_147 = arith.constant 0 : index
    %get3A_148 = arith.constant 0 : index
    %get3A_149 = vector.load %arg2[%get3A_147, %get3A_148] : memref<2048x2xf32, #tpu.memory_space<vmem>>, vector<2048x2xf32>
    %get3A_150 = arith.constant 0 : index
    %get3A_151 = arith.constant 0 : index
    %get3A_152 = vector.load %arg4[%get3A_150, %get3A_151] : memref<2048x32xf32, #tpu.memory_space<vmem>>, vector<2048x32xf32>
    %dot_general3A_153 = arith.constant dense<0.000000e+00> : vector<2048x256xf32>
    %dot_general3A_154 = tpu.matmul %get3A_149, %get3A_1, %dot_general3A_153 {dimension_numbers = #tpu.dot_dimension_numbers<[1], [0], [0], [1], [0, 0, 1, 1], [], []>, transpose_lhs_hint = false} : vector<2048x2xf32>, vector<2x256xf32>, vector<2048x256xf32> -> vector<2048x256xf32>
    %add3A_155 = vector.broadcast %get3A_4 : vector<1x256xf32> to vector<2048x256xf32>
    %add3A_156 = arith.addf %dot_general3A_154, %add3A_155 : vector<2048x256xf32>
    %tanh3A_157 = math.tanh %add3A_156 : vector<2048x256xf32>
    %convert_element_type3A_158 = arith.truncf %tanh3A_157 : vector<2048x256xf32> to vector<2048x256xbf16>
    %get3A_159 = arith.constant 0 : index
    %get3A_160 = arith.constant 0 : index
    %get3A_161 = arith.constant 0 : index
    %get3A_162 = vector.load %arg8[%get3A_159, %get3A_160, %get3A_161] : memref<6x256x256xbf16, #tpu.memory_space<vmem>>, vector<1x256x256xbf16>
    %get3A_163 = vector.shape_cast %get3A_162 : vector<1x256x256xbf16> to vector<256x256xbf16>
    %dot_general3A_164 = arith.constant dense<0.000000e+00> : vector<2048x256xf32>
    %dot_general3A_165 = tpu.matmul %convert_element_type3A_158, %get3A_163, %dot_general3A_164 {dimension_numbers = #tpu.dot_dimension_numbers<[1], [0], [0], [1], [0, 0, 1, 1], [], []>, transpose_lhs_hint = false} : vector<2048x256xbf16>, vector<256x256xbf16>, vector<2048x256xf32> -> vector<2048x256xf32>
    %get3A_166 = arith.constant 0 : index
    %get3A_167 = arith.constant 0 : index
    %get3A_168 = vector.load %arg9[%get3A_166, %get3A_167] : memref<6x256xf32, #tpu.memory_space<vmem>>, vector<1x256xf32>
    %get3A_169 = vector.shape_cast %get3A_168 : vector<1x256xf32> to vector<256xf32>
    %broadcast_in_dim3A_170 = vector.shape_cast %get3A_169 : vector<256xf32> to vector<1x256xf32>
    %add3A_171 = vector.broadcast %broadcast_in_dim3A_170 : vector<1x256xf32> to vector<2048x256xf32>
    %add3A_172 = arith.addf %dot_general3A_165, %add3A_171 : vector<2048x256xf32>
    %max3A_173 = arith.constant 0.000000e+00 : f32
    %max3A_174 = vector.broadcast %max3A_173 : f32 to vector<2048x256xf32>
    %max3A_175 = arith.maximumf %add3A_172, %max3A_174 : vector<2048x256xf32>
    %convert_element_type3A_176 = arith.truncf %max3A_175 : vector<2048x256xf32> to vector<2048x256xbf16>
    %get3A_177 = arith.constant 1 : index
    %get3A_178 = arith.constant 0 : index
    %get3A_179 = arith.constant 0 : index
    %get3A_180 = vector.load %arg8[%get3A_177, %get3A_178, %get3A_179] : memref<6x256x256xbf16, #tpu.memory_space<vmem>>, vector<1x256x256xbf16>
    %get3A_181 = vector.shape_cast %get3A_180 : vector<1x256x256xbf16> to vector<256x256xbf16>
    %dot_general3A_182 = arith.constant dense<0.000000e+00> : vector<2048x256xf32>
    %dot_general3A_183 = tpu.matmul %convert_element_type3A_176, %get3A_181, %dot_general3A_182 {dimension_numbers = #tpu.dot_dimension_numbers<[1], [0], [0], [1], [0, 0, 1, 1], [], []>, transpose_lhs_hint = false} : vector<2048x256xbf16>, vector<256x256xbf16>, vector<2048x256xf32> -> vector<2048x256xf32>
    %get3A_184 = arith.constant 1 : index
    %get3A_185 = arith.constant 0 : index
    %get3A_186 = vector.load %arg9[%get3A_184, %get3A_185] : memref<6x256xf32, #tpu.memory_space<vmem>>, vector<1x256xf32>
    %get3A_187 = vector.shape_cast %get3A_186 : vector<1x256xf32> to vector<256xf32>
    %broadcast_in_dim3A_188 = vector.shape_cast %get3A_187 : vector<256xf32> to vector<1x256xf32>
    %add3A_189 = vector.broadcast %broadcast_in_dim3A_188 : vector<1x256xf32> to vector<2048x256xf32>
    %add3A_190 = arith.addf %dot_general3A_183, %add3A_189 : vector<2048x256xf32>
    %max3A_191 = arith.constant 0.000000e+00 : f32
    %max3A_192 = vector.broadcast %max3A_191 : f32 to vector<2048x256xf32>
    %max3A_193 = arith.maximumf %add3A_190, %max3A_192 : vector<2048x256xf32>
    %convert_element_type3A_194 = arith.truncf %max3A_193 : vector<2048x256xf32> to vector<2048x256xbf16>
    %get3A_195 = arith.constant 2 : index
    %get3A_196 = arith.constant 0 : index
    %get3A_197 = arith.constant 0 : index
    %get3A_198 = vector.load %arg8[%get3A_195, %get3A_196, %get3A_197] : memref<6x256x256xbf16, #tpu.memory_space<vmem>>, vector<1x256x256xbf16>
    %get3A_199 = vector.shape_cast %get3A_198 : vector<1x256x256xbf16> to vector<256x256xbf16>
    %dot_general3A_200 = arith.constant dense<0.000000e+00> : vector<2048x256xf32>
    %dot_general3A_201 = tpu.matmul %convert_element_type3A_194, %get3A_199, %dot_general3A_200 {dimension_numbers = #tpu.dot_dimension_numbers<[1], [0], [0], [1], [0, 0, 1, 1], [], []>, transpose_lhs_hint = false} : vector<2048x256xbf16>, vector<256x256xbf16>, vector<2048x256xf32> -> vector<2048x256xf32>
    %get3A_202 = arith.constant 2 : index
    %get3A_203 = arith.constant 0 : index
    %get3A_204 = vector.load %arg9[%get3A_202, %get3A_203] : memref<6x256xf32, #tpu.memory_space<vmem>>, vector<1x256xf32>
    %get3A_205 = vector.shape_cast %get3A_204 : vector<1x256xf32> to vector<256xf32>
    %broadcast_in_dim3A_206 = vector.shape_cast %get3A_205 : vector<256xf32> to vector<1x256xf32>
    %add3A_207 = vector.broadcast %broadcast_in_dim3A_206 : vector<1x256xf32> to vector<2048x256xf32>
    %add3A_208 = arith.addf %dot_general3A_201, %add3A_207 : vector<2048x256xf32>
    %max3A_209 = arith.constant 0.000000e+00 : f32
    %max3A_210 = vector.broadcast %max3A_209 : f32 to vector<2048x256xf32>
    %max3A_211 = arith.maximumf %add3A_208, %max3A_210 : vector<2048x256xf32>
    %convert_element_type3A_212 = arith.truncf %max3A_211 : vector<2048x256xf32> to vector<2048x256xbf16>
    %get3A_213 = arith.constant 3 : index
    %get3A_214 = arith.constant 0 : index
    %get3A_215 = arith.constant 0 : index
    %get3A_216 = vector.load %arg8[%get3A_213, %get3A_214, %get3A_215] : memref<6x256x256xbf16, #tpu.memory_space<vmem>>, vector<1x256x256xbf16>
    %get3A_217 = vector.shape_cast %get3A_216 : vector<1x256x256xbf16> to vector<256x256xbf16>
    %dot_general3A_218 = arith.constant dense<0.000000e+00> : vector<2048x256xf32>
    %dot_general3A_219 = tpu.matmul %convert_element_type3A_212, %get3A_217, %dot_general3A_218 {dimension_numbers = #tpu.dot_dimension_numbers<[1], [0], [0], [1], [0, 0, 1, 1], [], []>, transpose_lhs_hint = false} : vector<2048x256xbf16>, vector<256x256xbf16>, vector<2048x256xf32> -> vector<2048x256xf32>
    %get3A_220 = arith.constant 3 : index
    %get3A_221 = arith.constant 0 : index
    %get3A_222 = vector.load %arg9[%get3A_220, %get3A_221] : memref<6x256xf32, #tpu.memory_space<vmem>>, vector<1x256xf32>
    %get3A_223 = vector.shape_cast %get3A_222 : vector<1x256xf32> to vector<256xf32>
    %broadcast_in_dim3A_224 = vector.shape_cast %get3A_223 : vector<256xf32> to vector<1x256xf32>
    %add3A_225 = vector.broadcast %broadcast_in_dim3A_224 : vector<1x256xf32> to vector<2048x256xf32>
    %add3A_226 = arith.addf %dot_general3A_219, %add3A_225 : vector<2048x256xf32>
    %max3A_227 = arith.constant 0.000000e+00 : f32
    %max3A_228 = vector.broadcast %max3A_227 : f32 to vector<2048x256xf32>
    %max3A_229 = arith.maximumf %add3A_226, %max3A_228 : vector<2048x256xf32>
    %convert_element_type3A_230 = arith.truncf %max3A_229 : vector<2048x256xf32> to vector<2048x256xbf16>
    %get3A_231 = arith.constant 4 : index
    %get3A_232 = arith.constant 0 : index
    %get3A_233 = arith.constant 0 : index
    %get3A_234 = vector.load %arg8[%get3A_231, %get3A_232, %get3A_233] : memref<6x256x256xbf16, #tpu.memory_space<vmem>>, vector<1x256x256xbf16>
    %get3A_235 = vector.shape_cast %get3A_234 : vector<1x256x256xbf16> to vector<256x256xbf16>
    %dot_general3A_236 = arith.constant dense<0.000000e+00> : vector<2048x256xf32>
    %dot_general3A_237 = tpu.matmul %convert_element_type3A_230, %get3A_235, %dot_general3A_236 {dimension_numbers = #tpu.dot_dimension_numbers<[1], [0], [0], [1], [0, 0, 1, 1], [], []>, transpose_lhs_hint = false} : vector<2048x256xbf16>, vector<256x256xbf16>, vector<2048x256xf32> -> vector<2048x256xf32>
    %get3A_238 = arith.constant 4 : index
    %get3A_239 = arith.constant 0 : index
    %get3A_240 = vector.load %arg9[%get3A_238, %get3A_239] : memref<6x256xf32, #tpu.memory_space<vmem>>, vector<1x256xf32>
    %get3A_241 = vector.shape_cast %get3A_240 : vector<1x256xf32> to vector<256xf32>
    %broadcast_in_dim3A_242 = vector.shape_cast %get3A_241 : vector<256xf32> to vector<1x256xf32>
    %add3A_243 = vector.broadcast %broadcast_in_dim3A_242 : vector<1x256xf32> to vector<2048x256xf32>
    %add3A_244 = arith.addf %dot_general3A_237, %add3A_243 : vector<2048x256xf32>
    %max3A_245 = arith.constant 0.000000e+00 : f32
    %max3A_246 = vector.broadcast %max3A_245 : f32 to vector<2048x256xf32>
    %max3A_247 = arith.maximumf %add3A_244, %max3A_246 : vector<2048x256xf32>
    %convert_element_type3A_248 = arith.truncf %max3A_247 : vector<2048x256xf32> to vector<2048x256xbf16>
    %get3A_249 = arith.constant 5 : index
    %get3A_250 = arith.constant 0 : index
    %get3A_251 = arith.constant 0 : index
    %get3A_252 = vector.load %arg8[%get3A_249, %get3A_250, %get3A_251] : memref<6x256x256xbf16, #tpu.memory_space<vmem>>, vector<1x256x256xbf16>
    %get3A_253 = vector.shape_cast %get3A_252 : vector<1x256x256xbf16> to vector<256x256xbf16>
    %dot_general3A_254 = arith.constant dense<0.000000e+00> : vector<2048x256xf32>
    %dot_general3A_255 = tpu.matmul %convert_element_type3A_248, %get3A_253, %dot_general3A_254 {dimension_numbers = #tpu.dot_dimension_numbers<[1], [0], [0], [1], [0, 0, 1, 1], [], []>, transpose_lhs_hint = false} : vector<2048x256xbf16>, vector<256x256xbf16>, vector<2048x256xf32> -> vector<2048x256xf32>
    %get3A_256 = arith.constant 5 : index
    %get3A_257 = arith.constant 0 : index
    %get3A_258 = vector.load %arg9[%get3A_256, %get3A_257] : memref<6x256xf32, #tpu.memory_space<vmem>>, vector<1x256xf32>
    %get3A_259 = vector.shape_cast %get3A_258 : vector<1x256xf32> to vector<256xf32>
    %broadcast_in_dim3A_260 = vector.shape_cast %get3A_259 : vector<256xf32> to vector<1x256xf32>
    %add3A_261 = vector.broadcast %broadcast_in_dim3A_260 : vector<1x256xf32> to vector<2048x256xf32>
    %add3A_262 = arith.addf %dot_general3A_255, %add3A_261 : vector<2048x256xf32>
    %tanh3A_263 = math.tanh %add3A_262 : vector<2048x256xf32>
    %convert_element_type3A_264 = arith.truncf %get3A_152 : vector<2048x32xf32> to vector<2048x32xbf16>
    %get3A_265 = arith.constant 0 : index
    %get3A_266 = arith.constant 0 : index
    %get3A_267 = vector.load %arg10[%get3A_265, %get3A_266] : memref<32x256xbf16, #tpu.memory_space<vmem>>, vector<32x256xbf16>
    %dot_general3A_268 = arith.constant dense<0.000000e+00> : vector<2048x256xf32>
    %dot_general3A_269 = tpu.matmul %convert_element_type3A_264, %get3A_267, %dot_general3A_268 {dimension_numbers = #tpu.dot_dimension_numbers<[1], [0], [0], [1], [0, 0, 1, 1], [], []>, transpose_lhs_hint = false} : vector<2048x32xbf16>, vector<32x256xbf16>, vector<2048x256xf32> -> vector<2048x256xf32>
    %add3A_270 = vector.broadcast %get3A_7 : vector<1x256xf32> to vector<2048x256xf32>
    %add3A_271 = arith.addf %dot_general3A_269, %add3A_270 : vector<2048x256xf32>
    %tanh3A_272 = math.tanh %add3A_271 : vector<2048x256xf32>
    %convert_element_type3A_273 = arith.truncf %tanh3A_263 : vector<2048x256xf32> to vector<2048x256xbf16>
    %get3A_274 = arith.constant 0 : index
    %get3A_275 = arith.constant 0 : index
    %get3A_276 = vector.load %arg12[%get3A_274, %get3A_275] : memref<256x256xbf16, #tpu.memory_space<vmem>>, vector<256x256xbf16>
    %dot_general3A_277 = arith.constant dense<0.000000e+00> : vector<2048x256xf32>
    %dot_general3A_278 = tpu.matmul %convert_element_type3A_273, %get3A_276, %dot_general3A_277 {dimension_numbers = #tpu.dot_dimension_numbers<[1], [0], [0], [1], [0, 0, 1, 1], [], []>, transpose_lhs_hint = false} : vector<2048x256xbf16>, vector<256x256xbf16>, vector<2048x256xf32> -> vector<2048x256xf32>
    %convert_element_type3A_279 = arith.truncf %tanh3A_272 : vector<2048x256xf32> to vector<2048x256xbf16>
    %get3A_280 = arith.constant 0 : index
    %get3A_281 = arith.constant 0 : index
    %get3A_282 = vector.load %arg13[%get3A_280, %get3A_281] : memref<256x256xbf16, #tpu.memory_space<vmem>>, vector<256x256xbf16>
    %dot_general3A_283 = arith.constant dense<0.000000e+00> : vector<2048x256xf32>
    %dot_general3A_284 = tpu.matmul %convert_element_type3A_279, %get3A_282, %dot_general3A_283 {dimension_numbers = #tpu.dot_dimension_numbers<[1], [0], [0], [1], [0, 0, 1, 1], [], []>, transpose_lhs_hint = false} : vector<2048x256xbf16>, vector<256x256xbf16>, vector<2048x256xf32> -> vector<2048x256xf32>
    %add3A_285 = arith.addf %dot_general3A_278, %dot_general3A_284 : vector<2048x256xf32>
    %add3A_286 = vector.broadcast %get3A_10 : vector<1x256xf32> to vector<2048x256xf32>
    %add3A_287 = arith.addf %add3A_285, %add3A_286 : vector<2048x256xf32>
    %tanh3A_288 = math.tanh %add3A_287 : vector<2048x256xf32>
    %convert_element_type3A_289 = arith.truncf %tanh3A_146 : vector<2048x256xf32> to vector<2048x256xbf16>
    %get3A_290 = arith.constant 0 : index
    %get3A_291 = arith.constant 0 : index
    %get3A_292 = vector.load %arg19[%get3A_290, %get3A_291] : memref<256x256xbf16, #tpu.memory_space<vmem>>, vector<256x256xbf16>
    %dot_general3A_293 = arith.constant dense<0.000000e+00> : vector<2048x256xf32>
    %dot_general3A_294 = tpu.matmul %convert_element_type3A_289, %get3A_292, %dot_general3A_293 {dimension_numbers = #tpu.dot_dimension_numbers<[1], [0], [0], [1], [0, 0, 1, 1], [], []>, transpose_lhs_hint = false} : vector<2048x256xbf16>, vector<256x256xbf16>, vector<2048x256xf32> -> vector<2048x256xf32>
    %get3A_295 = arith.constant 0 : index
    %get3A_296 = arith.constant 0 : index
    %get3A_297 = vector.load %arg20[%get3A_295, %get3A_296] : memref<1x256xf32, #tpu.memory_space<vmem>>, vector<1x256xf32>
    %add3A_298 = vector.broadcast %get3A_297 : vector<1x256xf32> to vector<2048x256xf32>
    %add3A_299 = arith.addf %dot_general3A_294, %add3A_298 : vector<2048x256xf32>
    %max3A_300 = arith.constant 0.000000e+00 : f32
    %max3A_301 = vector.broadcast %max3A_300 : f32 to vector<2048x256xf32>
    %max3A_302 = arith.maximumf %add3A_299, %max3A_301 : vector<2048x256xf32>
    %convert_element_type3A_303 = arith.truncf %max3A_302 : vector<2048x256xf32> to vector<2048x256xbf16>
    %get3A_304 = arith.constant 0 : index
    %get3A_305 = arith.constant 0 : index
    %get3A_306 = vector.load %arg21[%get3A_304, %get3A_305] : memref<256x20xbf16, #tpu.memory_space<vmem>>, vector<256x20xbf16>
    %dot_general3A_307 = arith.constant dense<0.000000e+00> : vector<2048x20xf32>
    %dot_general3A_308 = tpu.matmul %convert_element_type3A_303, %get3A_306, %dot_general3A_307 {dimension_numbers = #tpu.dot_dimension_numbers<[1], [0], [0], [1], [0, 0, 1, 1], [], []>, transpose_lhs_hint = false} : vector<2048x256xbf16>, vector<256x20xbf16>, vector<2048x20xf32> -> vector<2048x20xf32>
    %get3A_309 = arith.constant 0 : index
    %get3A_310 = arith.constant 0 : index
    %get3A_311 = vector.load %arg22[%get3A_309, %get3A_310] : memref<1x20xf32, #tpu.memory_space<vmem>>, vector<1x20xf32>
    %add3A_312 = vector.broadcast %get3A_311 : vector<1x20xf32> to vector<2048x20xf32>
    %add3A_313 = arith.addf %dot_general3A_308, %add3A_312 : vector<2048x20xf32>
    %convert_element_type3A_314 = arith.truncf %tanh3A_288 : vector<2048x256xf32> to vector<2048x256xbf16>
    %get3A_315 = arith.constant 0 : index
    %get3A_316 = arith.constant 0 : index
    %get3A_317 = vector.load %arg15[%get3A_315, %get3A_316] : memref<256x256xbf16, #tpu.memory_space<vmem>>, vector<256x256xbf16>
    %dot_general3A_318 = arith.constant dense<0.000000e+00> : vector<2048x256xf32>
    %dot_general3A_319 = tpu.matmul %convert_element_type3A_314, %get3A_317, %dot_general3A_318 {dimension_numbers = #tpu.dot_dimension_numbers<[1], [0], [0], [1], [0, 0, 1, 1], [], []>, transpose_lhs_hint = false} : vector<2048x256xbf16>, vector<256x256xbf16>, vector<2048x256xf32> -> vector<2048x256xf32>
    %get3A_320 = arith.constant 0 : index
    %get3A_321 = arith.constant 0 : index
    %get3A_322 = vector.load %arg16[%get3A_320, %get3A_321] : memref<1x256xf32, #tpu.memory_space<vmem>>, vector<1x256xf32>
    %add3A_323 = vector.broadcast %get3A_322 : vector<1x256xf32> to vector<2048x256xf32>
    %add3A_324 = arith.addf %dot_general3A_319, %add3A_323 : vector<2048x256xf32>
    %max3A_325 = arith.constant 0.000000e+00 : f32
    %max3A_326 = vector.broadcast %max3A_325 : f32 to vector<2048x256xf32>
    %max3A_327 = arith.maximumf %add3A_324, %max3A_326 : vector<2048x256xf32>
    %convert_element_type3A_328 = arith.truncf %max3A_327 : vector<2048x256xf32> to vector<2048x256xbf16>
    %get3A_329 = arith.constant 0 : index
    %get3A_330 = arith.constant 0 : index
    %get3A_331 = vector.load %arg17[%get3A_329, %get3A_330] : memref<256x12xbf16, #tpu.memory_space<vmem>>, vector<256x12xbf16>
    %dot_general3A_332 = arith.constant dense<0.000000e+00> : vector<2048x12xf32>
    %dot_general3A_333 = tpu.matmul %convert_element_type3A_328, %get3A_331, %dot_general3A_332 {dimension_numbers = #tpu.dot_dimension_numbers<[1], [0], [0], [1], [0, 0, 1, 1], [], []>, transpose_lhs_hint = false} : vector<2048x256xbf16>, vector<256x12xbf16>, vector<2048x12xf32> -> vector<2048x12xf32>
    %get3A_334 = arith.constant 0 : index
    %get3A_335 = arith.constant 0 : index
    %get3A_336 = vector.load %arg18[%get3A_334, %get3A_335] : memref<1x12xf32, #tpu.memory_space<vmem>>, vector<1x12xf32>
    %add3A_337 = vector.broadcast %get3A_336 : vector<1x12xf32> to vector<2048x12xf32>
    %add3A_338 = arith.addf %dot_general3A_333, %add3A_337 : vector<2048x12xf32>
    %get3A_339 = arith.constant 0 : index
    %get3A_340 = arith.constant 0 : index
    %get3A_341 = vector.load %arg23[%get3A_339, %get3A_340] : memref<256x2xf32, #tpu.memory_space<vmem>>, vector<256x2xf32>
    %dot_general3A_342 = arith.constant dense<0.000000e+00> : vector<2048x2xf32>
    %dot_general3A_343 = tpu.matmul %tanh3A_288, %get3A_341, %dot_general3A_342 {dimension_numbers = #tpu.dot_dimension_numbers<[1], [0], [0], [1], [0, 0, 1, 1], [], []>, transpose_lhs_hint = false} : vector<2048x256xf32>, vector<256x2xf32>, vector<2048x2xf32> -> vector<2048x2xf32>
    %convert_element_type3A_344 = arith.truncf %add3A_338 : vector<2048x12xf32> to vector<2048x12xbf16>
    %get3A_345 = arith.constant 0 : index
    %get3A_346 = arith.constant 0 : index
    %get3A_347 = vector.load %arg25[%get3A_345, %get3A_346] : memref<12x24xbf16, #tpu.memory_space<vmem>>, vector<12x24xbf16>
    %dot_general3A_348 = arith.constant dense<0.000000e+00> : vector<2048x24xf32>
    %dot_general3A_349 = tpu.matmul %convert_element_type3A_344, %get3A_347, %dot_general3A_348 {dimension_numbers = #tpu.dot_dimension_numbers<[1], [0], [0], [1], [0, 0, 1, 1], [], []>, transpose_lhs_hint = false} : vector<2048x12xbf16>, vector<12x24xbf16>, vector<2048x24xf32> -> vector<2048x24xf32>
    %convert_element_type3A_350 = arith.truncf %dot_general3A_343 : vector<2048x2xf32> to vector<2048x2xbf16>
    %get3A_351 = arith.constant 0 : index
    %get3A_352 = arith.constant 0 : index
    %get3A_353 = vector.load %arg26[%get3A_351, %get3A_352] : memref<2x24xbf16, #tpu.memory_space<vmem>>, vector<2x24xbf16>
    %dot_general3A_354 = arith.constant dense<0.000000e+00> : vector<2048x24xf32>
    %dot_general3A_355 = tpu.matmul %convert_element_type3A_350, %get3A_353, %dot_general3A_354 {dimension_numbers = #tpu.dot_dimension_numbers<[1], [0], [0], [1], [0, 0, 1, 1], [], []>, transpose_lhs_hint = false} : vector<2048x2xbf16>, vector<2x24xbf16>, vector<2048x24xf32> -> vector<2048x24xf32>
    %mul3A = arith.mulf %dot_general3A_349, %dot_general3A_355 : vector<2048x24xf32>
    %convert_element_type3A_356 = arith.truncf %add3A_313 : vector<2048x20xf32> to vector<2048x20xbf16>
    %get3A_357 = arith.constant 0 : index
    %get3A_358 = arith.constant 0 : index
    %get3A_359 = vector.load %arg27[%get3A_357, %get3A_358] : memref<20x480xbf16, #tpu.memory_space<vmem>>, vector<20x480xbf16>
    %dot_general3A_360 = arith.constant dense<0.000000e+00> : vector<2048x480xf32>
    %dot_general3A_361 = tpu.matmul %convert_element_type3A_356, %get3A_359, %dot_general3A_360 {dimension_numbers = #tpu.dot_dimension_numbers<[1], [0], [0], [1], [0, 0, 1, 1], [], []>, transpose_lhs_hint = false} : vector<2048x20xbf16>, vector<20x480xbf16>, vector<2048x480xf32> -> vector<2048x480xf32>
    %convert_element_type3A_362 = arith.truncf %mul3A : vector<2048x24xf32> to vector<2048x24xbf16>
    %get3A_363 = arith.constant 0 : index
    %get3A_364 = arith.constant 0 : index
    %get3A_365 = vector.load %arg28[%get3A_363, %get3A_364] : memref<24x480xbf16, #tpu.memory_space<vmem>>, vector<24x480xbf16>
    %dot_general3A_366 = arith.constant dense<0.000000e+00> : vector<2048x480xf32>
    %dot_general3A_367 = tpu.matmul %convert_element_type3A_362, %get3A_365, %dot_general3A_366 {dimension_numbers = #tpu.dot_dimension_numbers<[1], [0], [0], [1], [0, 0, 1, 1], [], []>, transpose_lhs_hint = false} : vector<2048x24xbf16>, vector<24x480xbf16>, vector<2048x480xf32> -> vector<2048x480xf32>
    %mul3A_368 = arith.mulf %dot_general3A_361, %dot_general3A_367 : vector<2048x480xf32>
    %get3A_369 = arith.constant 0 : index
    %get3A_370 = arith.constant 0 : index
    %get3A_371 = vector.load %arg29[%get3A_369, %get3A_370] : memref<256x2048xbf16, #tpu.memory_space<vmem>>, vector<256x2048xbf16>
    %convert_element_type3A_372 = arith.truncf %mul3A_368 : vector<2048x480xf32> to vector<2048x480xbf16>
    %dot_general3A_373 = arith.constant dense<0.000000e+00> : vector<256x480xf32>
    %dot_general3A_374 = tpu.matmul %get3A_371, %convert_element_type3A_372, %dot_general3A_373 {dimension_numbers = #tpu.dot_dimension_numbers<[1], [0], [0], [1], [0, 0, 1, 1], [], []>, transpose_lhs_hint = false} : vector<256x2048xbf16>, vector<2048x480xbf16>, vector<256x480xf32> -> vector<256x480xf32>
    %get3A_375 = arith.constant 0 : index
    %get3A_376 = arith.constant 0 : index
    %get3A_377 = vector.load %arg5[%get3A_375, %get3A_376] : memref<256x24xf32, #tpu.memory_space<vmem>>, vector<256x24xf32>
    %get3A_378 = arith.constant 0 : index
    %get3A_379 = arith.constant 0 : index
    %get3A_380 = vector.load %arg24[%get3A_378, %get3A_379] : memref<1x24xf32, #tpu.memory_space<vmem>>, vector<1x24xf32>
    %add3A_381 = vector.broadcast %get3A_380 : vector<1x24xf32> to vector<256x24xf32>
    %add3A_382 = arith.addf %get3A_377, %add3A_381 : vector<256x24xf32>
    %get3A_383 = arith.constant 0 : index
    %get3A_384 = arith.constant 0 : index
    %get3A_385 = vector.load %arg28[%get3A_383, %get3A_384] : memref<24x480xbf16, #tpu.memory_space<vmem>>, vector<24x480xbf16>
    %convert_element_type3A_386 = arith.extf %get3A_385 : vector<24x480xbf16> to vector<24x480xf32>
    %dot_general3A_387 = arith.constant dense<0.000000e+00> : vector<256x480xf32>
    %dot_general3A_388 = tpu.matmul %add3A_382, %convert_element_type3A_386, %dot_general3A_387 {dimension_numbers = #tpu.dot_dimension_numbers<[1], [0], [0], [1], [0, 0, 1, 1], [], []>, transpose_lhs_hint = false} : vector<256x24xf32>, vector<24x480xf32>, vector<256x480xf32> -> vector<256x480xf32>
    %add3A_389 = arith.addf %dot_general3A_374, %dot_general3A_388 : vector<256x480xf32>
    %swap3A = arith.constant 0 : index
    %swap3A_390 = arith.constant 0 : index
    %swap3A_391 = vector.load %arg30[%swap3A, %swap3A_390] : memref<256x480xf32, #tpu.memory_space<vmem>>, vector<256x480xf32>
    tpu.vector_store %arg30[%swap3A, %swap3A_390], %add3A_389 {strides = array<i32>} : memref<256x480xf32, #tpu.memory_space<vmem>>, vector<256x480xf32>,
    return
  }
  func.func @transform_0(%arg0: i32) -> (i32, i32) {
    %c0_i32 = arith.constant 0 : i32
    %c0_i32_0 = arith.constant 0 : i32
    return %arg0, %c0_i32 : i32, i32
  }
  func.func @transform_1(%arg0: i32) -> (i32, i32) {
    %c0_i32 = arith.constant 0 : i32
    %c0_i32_0 = arith.constant 0 : i32
    return %arg0, %c0_i32 : i32, i32
  }
  func.func @transform_2(%arg0: i32) -> (i32, i32) {
    %c0_i32 = arith.constant 0 : i32
    %c0_i32_0 = arith.constant 0 : i32
    return %arg0, %c0_i32 : i32, i32
  }
  func.func @transform_3(%arg0: i32) -> (i32, i32) {
    %c0_i32 = arith.constant 0 : i32
    %c0_i32_0 = arith.constant 0 : i32
    return %arg0, %c0_i32 : i32, i32
  }
  func.func @transform_4(%arg0: i32) -> (i32, i32) {
    %c0_i32 = arith.constant 0 : i32
    %c0_i32_0 = arith.constant 0 : i32
    return %arg0, %c0_i32 : i32, i32
  }
  func.func @transform_5(%arg0: i32) -> (i32, i32) {
    %c0_i32 = arith.constant 0 : i32
    %c0_i32_0 = arith.constant 0 : i32
    %c0_i32_1 = arith.constant 0 : i32
    return %c0_i32, %c0_i32_0 : i32, i32
  }
  func.func @transform_6(%arg0: i32) -> (i32, i32) {
    %c0_i32 = arith.constant 0 : i32
    %c0_i32_0 = arith.constant 0 : i32
    %c0_i32_1 = arith.constant 0 : i32
    return %c0_i32, %c0_i32_0 : i32, i32
  }
  func.func @transform_7(%arg0: i32) -> (i32, i32, i32) {
    %c0_i32 = arith.constant 0 : i32
    %c0_i32_0 = arith.constant 0 : i32
    %c0_i32_1 = arith.constant 0 : i32
    %c0_i32_2 = arith.constant 0 : i32
    return %c0_i32, %c0_i32_0, %c0_i32_1 : i32, i32, i32
  }
  func.func @transform_8(%arg0: i32) -> (i32, i32) {
    %c0_i32 = arith.constant 0 : i32
    %c0_i32_0 = arith.constant 0 : i32
    %c0_i32_1 = arith.constant 0 : i32
    return %c0_i32, %c0_i32_0 : i32, i32
  }
  func.func @transform_9(%arg0: i32) -> (i32, i32) {
    %c0_i32 = arith.constant 0 : i32
    %c0_i32_0 = arith.constant 0 : i32
    %c0_i32_1 = arith.constant 0 : i32
    return %c0_i32, %c0_i32_0 : i32, i32
  }
  func.func @transform_10(%arg0: i32) -> (i32, i32) {
    %c0_i32 = arith.constant 0 : i32
    %c0_i32_0 = arith.constant 0 : i32
    %c0_i32_1 = arith.constant 0 : i32
    return %c0_i32, %c0_i32_0 : i32, i32
  }
  func.func @transform_11(%arg0: i32) -> (i32, i32) {
    %c0_i32 = arith.constant 0 : i32
    %c0_i32_0 = arith.constant 0 : i32
    %c0_i32_1 = arith.constant 0 : i32
    return %c0_i32, %c0_i32_0 : i32, i32
  }
  func.func @transform_12(%arg0: i32) -> (i32, i32) {
    %c0_i32 = arith.constant 0 : i32
    %c0_i32_0 = arith.constant 0 : i32
    %c0_i32_1 = arith.constant 0 : i32
    return %c0_i32, %c0_i32_0 : i32, i32
  }
  func.func @transform_13(%arg0: i32) -> (i32, i32) {
    %c0_i32 = arith.constant 0 : i32
    %c0_i32_0 = arith.constant 0 : i32
    %c0_i32_1 = arith.constant 0 : i32
    return %c0_i32, %c0_i32_0 : i32, i32
  }
  func.func @transform_14(%arg0: i32) -> (i32, i32) {
    %c0_i32 = arith.constant 0 : i32
    %c0_i32_0 = arith.constant 0 : i32
    %c0_i32_1 = arith.constant 0 : i32
    return %c0_i32, %c0_i32_0 : i32, i32
  }
  func.func @transform_15(%arg0: i32) -> (i32, i32) {
    %c0_i32 = arith.constant 0 : i32
    %c0_i32_0 = arith.constant 0 : i32
    %c0_i32_1 = arith.constant 0 : i32
    return %c0_i32, %c0_i32_0 : i32, i32
  }
  func.func @transform_16(%arg0: i32) -> (i32, i32) {
    %c0_i32 = arith.constant 0 : i32
    %c0_i32_0 = arith.constant 0 : i32
    %c0_i32_1 = arith.constant 0 : i32
    return %c0_i32, %c0_i32_0 : i32, i32
  }
  func.func @transform_17(%arg0: i32) -> (i32, i32) {
    %c0_i32 = arith.constant 0 : i32
    %c0_i32_0 = arith.constant 0 : i32
    %c0_i32_1 = arith.constant 0 : i32
    return %c0_i32, %c0_i32_0 : i32, i32
  }
  func.func @transform_18(%arg0: i32) -> (i32, i32) {
    %c0_i32 = arith.constant 0 : i32
    %c0_i32_0 = arith.constant 0 : i32
    %c0_i32_1 = arith.constant 0 : i32
    return %c0_i32, %c0_i32_0 : i32, i32
  }
  func.func @transform_19(%arg0: i32) -> (i32, i32) {
    %c0_i32 = arith.constant 0 : i32
    %c0_i32_0 = arith.constant 0 : i32
    %c0_i32_1 = arith.constant 0 : i32
    return %c0_i32, %c0_i32_0 : i32, i32
  }
  func.func @transform_20(%arg0: i32) -> (i32, i32) {
    %c0_i32 = arith.constant 0 : i32
    %c0_i32_0 = arith.constant 0 : i32
    %c0_i32_1 = arith.constant 0 : i32
    return %c0_i32, %c0_i32_0 : i32, i32
  }
  func.func @transform_21(%arg0: i32) -> (i32, i32) {
    %c0_i32 = arith.constant 0 : i32
    %c0_i32_0 = arith.constant 0 : i32
    %c0_i32_1 = arith.constant 0 : i32
    return %c0_i32, %c0_i32_0 : i32, i32
  }
  func.func @transform_22(%arg0: i32) -> (i32, i32) {
    %c0_i32 = arith.constant 0 : i32
    %c0_i32_0 = arith.constant 0 : i32
    %c0_i32_1 = arith.constant 0 : i32
    return %c0_i32, %c0_i32_0 : i32, i32
  }
  func.func @transform_23(%arg0: i32) -> (i32, i32) {
    %c0_i32 = arith.constant 0 : i32
    %c0_i32_0 = arith.constant 0 : i32
    %c0_i32_1 = arith.constant 0 : i32
    return %c0_i32, %c0_i32_0 : i32, i32
  }
  func.func @transform_24(%arg0: i32) -> (i32, i32) {
    %c0_i32 = arith.constant 0 : i32
    %c0_i32_0 = arith.constant 0 : i32
    %c0_i32_1 = arith.constant 0 : i32
    return %c0_i32, %c0_i32_0 : i32, i32
  }
  func.func @transform_25(%arg0: i32) -> (i32, i32) {
    %c0_i32 = arith.constant 0 : i32
    %c0_i32_0 = arith.constant 0 : i32
    %c0_i32_1 = arith.constant 0 : i32
    return %c0_i32, %c0_i32_0 : i32, i32
  }
  func.func @transform_26(%arg0: i32) -> (i32, i32) {
    %c0_i32 = arith.constant 0 : i32
    %c0_i32_0 = arith.constant 0 : i32
    %c0_i32_1 = arith.constant 0 : i32
    return %c0_i32, %c0_i32_0 : i32, i32
  }
  func.func @transform_27(%arg0: i32) -> (i32, i32) {
    %c0_i32 = arith.constant 0 : i32
    %c0_i32_0 = arith.constant 0 : i32
    %c0_i32_1 = arith.constant 0 : i32
    return %c0_i32, %c0_i32_0 : i32, i32
  }
  func.func @transform_28(%arg0: i32) -> (i32, i32) {
    %c0_i32 = arith.constant 0 : i32
    %c0_i32_0 = arith.constant 0 : i32
    %c0_i32_1 = arith.constant 0 : i32
    return %c0_i32, %c0_i32_0 : i32, i32
  }
  func.func @transform_29(%arg0: i32) -> (i32, i32) {
    %c0_i32 = arith.constant 0 : i32
    %c0_i32_0 = arith.constant 0 : i32
    return %arg0, %c0_i32 : i32, i32
  }
}

</mosaic_0001>

<sc_bundles>
// kernel: kernel.11.cloned.1.call-start
scs
__scs_entry_jumppad:
0x0: {  	(pc) =	sbr.rel $0x88, $3  }
0x1: {  	(tag) =	ssettag $0x0;
	lr =	simm.s32 $0x1  }
0x2: {  	[smem:$0x3F83] =	sst lr;
	_ =	strace $0xD0000000  }
0x3: {  	_ = 	snop  }
0x4: {  	_ = 	snop  }
0x5: {  	_ = 	snop  }
0x6: {  	_ = 	snop  }
0x7: {  	_ = 	snop  }
__scs_overlays_trampoline_lowered:
0x8: {  	[smem:$0x3F92] =	sst s0  }
0x9: {  	[smem:$0x3F93] =	sst s1  }
0xa: {  	[smem:$0x3F94] =	sst s2  }
0xb: {  	[smem:$0x3F95] =	sst s3  }
0xc: {  	[smem:$0x3F96] =	sst s4  }
0xd: {  	[smem:$0x3F97] =	sst s5  }
0xe: {  	[smem:$0x3F98] =	sst s6  }
0xf: {  	[smem:$0x3F99] =	sst s7  }
0x10: {  	[smem:$0x3F9A] =	sst s8  }
0x11: {  	[smem:$0x3F9B] =	sst s9;
	s0 =	simm.s32 @!p0 $0x0  }
0x12: {  	s1 =	sld [smem:$0x3F81];
	s0 =	simm.s32 @p0 $0x1  }
0x13: {  	[smem:$0x3F9C] =	sst s0;
	s0 =	simm.s32 @!p1 $0x0  }
0x14: {  	s2 =	sld [smem:$0x3F80];
	s0 =	simm.s32 @p1 $0x1  }
0x15: {  	[smem:$0x3F9D] =	sst s0;
	s0 =	simm.s32 @!p2 $0x0  }
0x16: {  	s3 =	sld [smem:$0x3FDB];
	s0 =	simm.s32 @p2 $0x1  }
0x17: {  	s4 =	simm.s32 $0x1BF5;
	[smem:$0x3F9F] =	sst s0  }
0x18: {  	s0 =	sld [smem:$0x3F82];
	_ =	swait.ge [sflag:s4], $0x0  }
0x19: {  	s7 =	sld [smem:$0x3F83]  }
0x1a: {  	s8 =	sadd.s32 $0xFFFFE003, lr  }
0x1b: {  	s9 =	sadd.s32 $0xFFFFFEF7, lr;
	s5 =	simm.s32 $0xFFFFFFFF;
	p2 =	slt.u32 s8, $0xFFFFF086  }
0x1c: {  	p1 =	slt.u32 s9, $0xF7A;
	s5 =	simm.s32 @!p2 $0x0  }
0x1d: {  	s5 =	simm.s32 @p1 $0x1;
	p0 =	seq.s32 s7, s2  }
0x1e: {  	s7 =	smul.u32 @!p0 $0xF7A, s2;
	p2 =	seq.s32 @!p0 s5, $0x0  }
0x1f: {  	s9 =	smul.u32 $0xF7A, s1;
	s8 =	simm.s32 @!p0 $0x1BF5;
	p2 =	por !p2, p0  }
0x20: {  	[sflag:s8] =	ssyncset.s32 @!p0 $0xFFFFF086;
	s6 =	sadd.s32 @!p0 s3, s7;
	s7 =	simm.s32 @!p0 $0x108  }
0x21: {  	s3 =	sadd.s32 s3, s9;
	s6 =	sadd.s32 @!p0 $0x88, s6;
	s7 =	simm.s32 @p2 $0x1082  }
0x22: {  	[simem:s7], [sflag:s8] =	dma.local @!p0 [hbm:s6], $0xF7A  }
0x23: {  	s9 =	sor.u32 $0xD0000000, s2;
	s6 =	simm.s32 $0x108;
	_ =	swait.ge @!p0 [sflag:s8], $0x0  }
0x24: {  	s3 =	sadd.s32 $0x88, s3;
	s6 =	simm.s32 @!p1 $0x1082;
	[sflag:s4] =	ssyncset.s32 $0xFFFFF086  }
0x25: {  	[simem:s6], [sflag:s4] =	dma.local [hbm:s3], $0xF7A  }
0x26: {  	[smem:$0x3F83] =	sst s1;
	(tag) =	ssettag s2;
	_ =	strace s9  }
0x27: {  	s1 =	sld [smem:$0x3F93]  }
0x28: {  	s2 =	sld [smem:$0x3F94]  }
0x29: {  	s4 =	sld [smem:$0x3F96]  }
0x2a: {  	p0 =	seq.s32 s5, $0x0;
	s5 =	sld [smem:$0x3F97]  }
0x2b: {  	s6 =	sld [smem:$0x3F98]  }
0x2c: {  	s7 =	sld [smem:$0x3F99]  }
0x2d: {  	s3 =	simm.s32 $0x108;
	s8 =	sld [smem:$0x3F9A]  }
0x2e: {  	s3 =	simm.s32 @!p0 $0x1082;
	s9 =	sld [smem:$0x3F9B]  }
0x2f: {  	lr =	sadd.s32 s0, s3;
	s0 =	sld [smem:$0x3F92]  }
0x30: {  	s3 =	sld [smem:$0x3F95]  }
0x31: {  	[smem:$0x3F9E] =	sst s10  }
0x32: {  	s10 =	sld [smem:$0x3F9C];
	_ =	sdelay $0x3  }
0x33: {  	p0 =	seq.s32 s10, $0x1;
	s10 =	sld [smem:$0x3F9E];
	_ =	sdelay $0x3  }
0x34: {  	[smem:$0x3F9E] =	sst s10  }
0x35: {  	s10 =	sld [smem:$0x3F9D];
	_ =	sdelay $0x3  }
0x36: {  	p1 =	seq.s32 s10, $0x1;
	s10 =	sld [smem:$0x3F9E];
	_ =	sdelay $0x3  }
0x37: {  	[smem:$0x3F9E] =	sst s10  }
0x38: {  	s10 =	sld [smem:$0x3F9F]  }
0x39: {  	_ = 	snop;
	(pc) =	sbr.ind lr, $3  }
0x3a: {  	_ = 	snop  }
0x3b: {  	_ = 	snop  }
0x3c: {  	p2 =	seq.s32 s10, $0x1;
	s10 =	sld [smem:$0x3F9E]  }
0x3d: {  	_ =	shalt  }
0x3e: {  	_ =	shalt  }
0x3f: {  	_ =	shalt  }
0x40: {  	_ =	shalt  }
0x41: {  	_ =	shalt  }
0x42: {  	_ =	shalt  }
0x43: {  	_ =	shalt  }
0x44: {  	_ =	shalt  }
0x45: {  	_ =	shalt  }
0x46: {  	_ =	shalt  }
0x47: {  	_ =	shalt  }
0x48: {  	_ =	shalt  }
0x49: {  	_ =	shalt  }
0x4a: {  	_ =	shalt  }
0x4b: {  	_ =	shalt  }
0x4c: {  	_ =	shalt  }
0x4d: {  	_ =	shalt  }
0x4e: {  	_ =	shalt  }
0x4f: {  	_ =	shalt  }
0x50: {  	_ =	shalt  }
0x51: {  	_ =	shalt  }
0x52: {  	_ =	shalt  }
0x53: {  	_ =	shalt  }
0x54: {  	_ =	shalt  }
0x55: {  	_ =	shalt  }
0x56: {  	_ =	shalt  }
0x57: {  	_ =	shalt  }
0x58: {  	_ =	shalt  }
0x59: {  	_ =	shalt  }
0x5a: {  	_ =	shalt  }
0x5b: {  	_ =	shalt  }
0x5c: {  	_ =	shalt  }
0x5d: {  	_ =	shalt  }
0x5e: {  	_ =	shalt  }
0x5f: {  	_ =	shalt  }
0x60: {  	_ =	shalt  }
0x61: {  	_ =	shalt  }
0x62: {  	_ =	shalt  }
0x63: {  	_ =	shalt  }
0x64: {  	_ =	shalt  }
0x65: {  	_ =	shalt  }
0x66: {  	_ =	shalt  }
0x67: {  	_ =	shalt  }
0x68: {  	_ =	shalt  }
0x69: {  	_ =	shalt  }
0x6a: {  	_ =	shalt  }
0x6b: {  	_ =	shalt  }
0x6c: {  	_ =	shalt  }
0x6d: {  	_ =	shalt  }
0x6e: {  	_ =	shalt  }
0x6f: {  	_ =	shalt  }
0x70: {  	_ =	shalt  }
0x71: {  	_ =	shalt  }
0x72: {  	_ =	shalt  }
0x73: {  	_ =	shalt  }
0x74: {  	_ =	shalt  }
0x75: {  	_ =	shalt  }
0x76: {  	_ =	shalt  }
0x77: {  	_ =	shalt  }
0x78: {  	_ =	shalt  }
0x79: {  	_ =	shalt  }
0x7a: {  	_ =	shalt  }
0x7b: {  	_ =	shalt  }
0x7c: {  	_ =	shalt  }
0x7d: {  	_ =	shalt  }
0x7e: {  	_ =	shalt  }
0x7f: {  	_ =	shalt  }
0x80: {  	_ =	shalt  }
0x81: {  	_ =	shalt  }
0x82: {  	_ =	shalt  }
0x83: {  	_ =	shalt  }
0x84: {  	_ =	shalt  }
0x85: {  	_ =	shalt  }
0x86: {  	_ =	shalt  }
0x87: {  	_ =	shalt  }
.Lfunc_end0:
.L_simem_size_0:
called_computation.1_lowered:
.L_overlay_start_0:
0x88: {  	s2 =	sld [smem:$0x3FD9]  }
0x89: {  	s3 =	sld [smem:$0x3FFE];
	_ =	sdelay $0x1  }
0x8a: {  	s1 =	srdreg.scid  }
0x8b: {  	s0 =	sand.u32 $0x1, s1  }
0x8c: {  	s17 =	sshll.u32 s0, $0xA;
	s2 =	sadd.s32 s3, s2  }
0x8d: {  	s2 =	sadd.s32 s2, s17  }
0x8e: {  	[smem:$0x3FAA] =	sst s2  }
0x8f: {  	_ = 	snop  }
0x90: {  	s2 =	sld [smem:$0x3FD0];
	(tm) =	ssettm $0x1  }
0x91: {  	s18 =	sld [smem:$0x3FFB];
	_ =	sdelay $0x3  }
0x92: {  	_ =	strace s18  }
0x93: {  	s3 =	sld [smem:$0x3FFC];
	_ =	sdelay $0x3  }
0x94: {  	_ =	strace s3  }
0x95: {  	s3 =	sld [smem:$0x3FFD];
	_ =	sdelay $0x3  }
0x96: {  	_ =	strace s3  }
0x97: {  	_ =	strace $0x8FFFFFFF  }
0x98: {  	s19 =	sld [smem:$0x3FDB];
	_ =	sdelay $0x1  }
0x99: {  	s4 =	simm.s32 $_scs_section_size  }
0x9a: {  	s5 =	simm.s32 $_size__tile_overlayer_lowered;
	s6 =	simm.s32 $_tile_overlayer_lowered  }
0x9b: {  	s22 =	simm.s32 $0x1BFF;
	s21 =	sshll.u32 s6, $0x1;
	s3 =	sadd.s32 s4, s19  }
0x9c: {  	s7 =	simm.s32 $0x0;
	s20 =	sshll.u32 s5, $0x1;
	s5 =	sadd.s32 s21, s3  }
0x9d: {  	[timem:s7], [sflag:s22] =	dma.local [hbm:s5], s20  }
0x9e: {  	_ =	swait.ge [sflag:s22], s20  }
0x9f: {  	s4 =	ssub.s32 $0x0, s20;
	[sflag:s22] =	ssyncset.done $0x0  }
0xa0: {  	[sflag:s22] =	ssyncadd.s32 s4;
	_ =	sdelay $0x1  }
0xa1: {  	s23 =	simm.s32 $0x1B8B  }
0xa2: {  	_ =	swait.ge [sflag:s23], $0x1  }
0xa3: {  	[sflag:s23] =	ssyncset.done $0x0  }
0xa4: {  	s25 =	simm.s32 $0x1B8E;
	s24 =	sld [smem:$0x3FFE];
	[sflag:s23] =	ssyncadd.s32 $0xFFFFFFFF  }
0xa5: {  	s26 =	simm.s32 $execute0_lowered;
	[smem:$0x3FD2] =	sst s25  }
0xa6: {  	s5 =	sshll.u32 s26, $0x1;
	_ =	strace $0x80000049;
	[dreg:$0x1] =	wrdreg $0xFFFFFFFF  }
0xa7: {  	s28 =	simm.s32 $_size_execute0_lowered;
	s3 =	sadd.s32 s3, s5;
	[dreg:$0x0] =	wrdreg $0x0  }
0xa8: {  	s5 =	sshll.u32 s28, $0x1;
	[dreg:$0x2] =	wrdreg s3  }
0xa9: {  	[dreg:$0x3] =	wrdreg s5  }
0xaa: {  	[dreg:$0x4] =	wrdreg $0xC0  }
0xab: {  	_ =	task [dreg:s7], $0x5FFFF  }
0xac: {  	[dreg:$0x1] =	wrdreg $0xFFFFFFFF  }
0xad: {  	[dreg:$0x0] =	wrdreg $0x60  }
0xae: {  	[dreg:$0x2] =	wrdreg s24  }
0xaf: {  	[dreg:$0x3] =	wrdreg s2  }
0xb0: {  	[dreg:$0x4] =	wrdreg $0x9  }
0xb1: {  	_ =	task.clear_ibuf [dreg:s7], $0x5FFFF;
	_ =	strace $0x90000049  }
0xb2: {  	s29 =	simm.s32 $0x9;
	_ =	strace $0x8000004B  }
0xb3: {  	_ =	swait.ge [sflag:s29], $0x1  }
0xb4: {  	[sflag:s29] =	ssyncadd.s32 $0xFFFFFFFF  }
0xb5: {  	_ =	strace $0x9000004B  }
0xb6: {  	_ =	sfence  }
0xb7: {  	s30 =	sld [smem:$0x0];
	_ =	sdelay $0x2  }
0xb8: {  	s31 =	sshll.u32 s1, $0xD;
	s1 =	sshrl.u32 s1, $0x2  }
0xb9: {  	s3 =	sand.u32 $0x4000, s31;
	s1 =	sadd.s32 s1, s30  }
0xba: {  	s0 =	sor.u32 s3, s0;
	s1 =	sshll.u32 s1, $0x11  }
0xbb: {  	s0 =	sor.u32 s1, s0  }
0xbc: {  	s0 =	sadd.s32 $0x8F2B, s0  }
0xbd: {  	[sflag:s0] =	ssyncadd.remote.s32 $0x1  }
0xbe: {  	_ =	sfence.sel $0xFFFF  }
0xbf: {  	[dreg:$0x0] =	wrdreg $0xFFFFFFFF;
	(pc) =	sbr.abs _section_cstart, $3  }
0xc0: {  	[dreg:$0x1] =	wrdreg $0xFFFFFFFF  }
0xc1: {  	_ =	task.clear_ibuf [dreg:s7], $0x2FFFF;
	_ =	strace $0x9FFFFFFF  }
0xc2: {  	(tm) =	ssettm $0x7FFFFFFF  }
0xc3: {  	_ =	shalt  }
tec
execute0_lowered:
.L_overlay_start_1:
0x0: {  	(tag) =	ssettag $0x1  }
0x1: {  	s1 =	srdreg.scid  }
0x2: {  	s0 =	stileid.u32;
	s6 =	sand.u32 $0x1, s1  }
0x3: {  	s5 =	rddreg [dreg:$0x0];
	s30 =	sshll.u32 s0, $0x8;
	s2 =	sshll.u32 s6, $0x7  }
0x4: {  	s8 =	rddreg [dreg:$0x1];
	s9 =	sor.u32 s2, s30  }
0x5: {  	s1 =	rddreg [dreg:$0x2];
	s2 =	simm.s32 $0x0;
	s3 =	sshrl.u32 s9, $0x3  }
0x6: {  	s10 =	ssub.s32 $0x2, s6;
	[smem:$0x7FF] =	sst s2;
	s3 =	sadd.s32 s3, s5  }
0x7: {  	_ =	strace $0x8000004A;
	s4 =	sadd.s32 $0x8BE00, s3;
	s3 =	simm.s32 $0x2  }
0x8: {  	[tilespmem:s2], [sflag:$0x2] =	stream.linear.gather [hbm4b:s4+s2], $0x80, $0x38;
	[tilespmem:$0xF080] =	vst v63  }
0x9: {  	s7 =	simm.s32 $0x1;
	s11 =	sshrl.u32 s10, $0x1;
	_ =	swait.ge [sflag:s3], $0x80  }
0xa: {  	s6 =	simm.s32 $0x80;
	s10 =	ssub.s32 s10, s11;
	[sflag:s3] =	ssyncset.done $0x0  }
0xb: {  	s5 =	sadd.s32 $0x6000, s5;
	s31 =	smax.u32 s10, $0x1;
	[sflag:s3] =	ssyncadd.s32 $0xFFFFFF80  }
0xc: {  	[tilespmem:s6], [sflag:$0x1] =	stream.indirect.gather [hbm4b:s5+s6], $0x1E0, s2, s6, $0xb8;
	[tilespmem:$0xF080] =	vst v63  }
0xd: {  	s9 =	smul.u32 $0x3C, s9;
	p0 =	sne.s32 s31, $0x1;
	_ =	swait.ge [sflag:s7], $0xF000  }
.Ltmp0:
0xe: {  	[sflag:s7] =	ssyncset.done $0x0;
	(pc) =	sbr.rel @!p0 .LBB2_2-.Ltmp0, $4  }
0xf: {  	s8 =	sadd.s32 s8, s9;
	[sflag:s7] =	ssyncadd.s32 $0xFFFF1000  }
0x10: {  	[hbm4b:s8+s2] =	stream.linear.scatter [tilespmem:s6], [sflag:$0x2], $0xF000, $0x38;
	[tilespmem:$0xF080] =	vst v63  }
0x11: {  	_ =	swait.ge [sflag:s3], $0xF000  }
0x12: {  	s9 =	sadd.s32 $0xFFFFFFFF, s31;
	[sflag:s3] =	ssyncset.done $0x0  }
.LBB2_1:
0x13: {  	p0 =	sne.s32 s9, $0x1;
	s9 =	sadd.s32 $0xFFFFFFFF, s9;
	[sflag:s3] =	ssyncadd.s32 $0xFFFF1000  }
0x14: {  	[tilespmem:s2], [sflag:$0x2] =	stream.linear.gather [hbm4b:s4+s2], $0x80, $0x38;
	[tilespmem:$0xF080] =	vst v63  }
0x15: {  	_ =	swait.ge [sflag:s3], $0x80  }
0x16: {  	[sflag:s3] =	ssyncset.done $0x0  }
0x17: {  	[sflag:s3] =	ssyncadd.s32 $0xFFFFFF80  }
0x18: {  	[tilespmem:s6], [sflag:$0x1] =	stream.indirect.gather [hbm4b:s5+s6], $0x1E0, s2, s6, $0xb8;
	[tilespmem:$0xF080] =	vst v63  }
0x19: {  	_ =	swait.ge [sflag:s7], $0xF000  }
.Ltmp1:
0x1a: {  	[sflag:s7] =	ssyncset.done $0x0;
	(pc) =	sbr.rel @p0 .LBB2_1-.Ltmp1, $4  }
0x1b: {  	[sflag:s7] =	ssyncadd.s32 $0xFFFF1000  }
0x1c: {  	[hbm4b:s8+s2] =	stream.linear.scatter [tilespmem:s6], [sflag:$0x2], $0xF000, $0x38;
	[tilespmem:$0xF080] =	vst v63  }
0x1d: {  	_ =	swait.ge [sflag:s3], $0xF000  }
0x1e: {  	[sflag:s3] =	ssyncset.done $0x0  }
.LBB2_2:
0x1f: {  	[sflag:s3] =	ssyncadd.s32 $0xFFFF1000  }
0x20: {  	_ =	sfence.sel $0x180000  }
0x21: {  	[bflag:$0x0] =	sbarrier.arrive $0xFFFF  }
0x22: {  	p0 =	sne.s32 s0, $0x0;
	_ =	strace $0x9000004A  }
0x23: {  	s0 =	sadd.s32 @!p0 $0x100000, s1;
	[bflag:$0x2] =	sbarrier.arrive $0xFFFF  }
0x24: {  	[sflag:s0] =	ssyncadd.tile.s32 @!p0 $0x1;
	_ =	shalt  }
.Lfunc_end2:
_tile_overlayer_lowered:
.L_overlay_start_2:
0x25: {  	(tag) =	ssettag $0x2  }
0x26: {  	s0 =	rddreg [dreg:$0x0];
	s2 =	stileid.u32  }
0x27: {  	s1 =	rddreg [dreg:$0x1];
	p0 =	sne.s32 s2, $0x0  }
0x28: {  	s3 =	rddreg [dreg:$0x2];
	[bflag:$0x3] =	sbarrier.arrive $0xFFFF;
	s2 =	simm.s32 @!p0 $0x1C02  }
0x29: {  	[timem:s3], [sflag:s2] =	dma.local @!p0 [hbm:s0], s1  }
0x2a: {  	s0 =	simm.s32 @!p0 $0x2  }
0x2b: {  	_ =	swait.ge @!p0 [sflag:s0], s1  }
0x2c: {  	s1 =	ssub.s32 @!p0 $0x0, s1;
	[sflag:s0] =	ssyncset.done @!p0 $0x0  }
0x2d: {  	[sflag:s0] =	ssyncadd.s32 @!p0 s1  }
0x2e: {  	[bflag:$0x3] =	sbarrier.arrive $0xFFFF  }
0x2f: {  	_ =	shalt  }

// kernel: kernel.8.cloned.1.call-start
scs
__scs_entry_jumppad:
0x0: {  	(pc) =	sbr.rel $0x88, $3  }
0x1: {  	(tag) =	ssettag $0x0;
	lr =	simm.s32 $0x1  }
0x2: {  	[smem:$0x3F83] =	sst lr;
	_ =	strace $0xD0000000  }
0x3: {  	_ = 	snop  }
0x4: {  	_ = 	snop  }
0x5: {  	_ = 	snop  }
0x6: {  	_ = 	snop  }
0x7: {  	_ = 	snop  }
__scs_overlays_trampoline_lowered:
0x8: {  	[smem:$0x3F92] =	sst s0  }
0x9: {  	[smem:$0x3F93] =	sst s1  }
0xa: {  	[smem:$0x3F94] =	sst s2  }
0xb: {  	[smem:$0x3F95] =	sst s3  }
0xc: {  	[smem:$0x3F96] =	sst s4  }
0xd: {  	[smem:$0x3F97] =	sst s5  }
0xe: {  	[smem:$0x3F98] =	sst s6  }
0xf: {  	[smem:$0x3F99] =	sst s7  }
0x10: {  	[smem:$0x3F9A] =	sst s8  }
0x11: {  	[smem:$0x3F9B] =	sst s9;
	s0 =	simm.s32 @!p0 $0x0  }
0x12: {  	s1 =	sld [smem:$0x3F81];
	s0 =	simm.s32 @p0 $0x1  }
0x13: {  	[smem:$0x3F9C] =	sst s0;
	s0 =	simm.s32 @!p1 $0x0  }
0x14: {  	s2 =	sld [smem:$0x3F80];
	s0 =	simm.s32 @p1 $0x1  }
0x15: {  	[smem:$0x3F9D] =	sst s0;
	s0 =	simm.s32 @!p2 $0x0  }
0x16: {  	s3 =	sld [smem:$0x3FDB];
	s0 =	simm.s32 @p2 $0x1  }
0x17: {  	s4 =	simm.s32 $0x1BF5;
	[smem:$0x3F9F] =	sst s0  }
0x18: {  	s0 =	sld [smem:$0x3F82];
	_ =	swait.ge [sflag:s4], $0x0  }
0x19: {  	s7 =	sld [smem:$0x3F83]  }
0x1a: {  	s8 =	sadd.s32 $0xFFFFE003, lr  }
0x1b: {  	s9 =	sadd.s32 $0xFFFFFEF7, lr;
	s5 =	simm.s32 $0xFFFFFFFF;
	p2 =	slt.u32 s8, $0xFFFFF086  }
0x1c: {  	p1 =	slt.u32 s9, $0xF7A;
	s5 =	simm.s32 @!p2 $0x0  }
0x1d: {  	s5 =	simm.s32 @p1 $0x1;
	p0 =	seq.s32 s7, s2  }
0x1e: {  	s7 =	smul.u32 @!p0 $0xF7A, s2;
	p2 =	seq.s32 @!p0 s5, $0x0  }
0x1f: {  	s9 =	smul.u32 $0xF7A, s1;
	s8 =	simm.s32 @!p0 $0x1BF5;
	p2 =	por !p2, p0  }
0x20: {  	[sflag:s8] =	ssyncset.s32 @!p0 $0xFFFFF086;
	s6 =	sadd.s32 @!p0 s3, s7;
	s7 =	simm.s32 @!p0 $0x108  }
0x21: {  	s3 =	sadd.s32 s3, s9;
	s6 =	sadd.s32 @!p0 $0x88, s6;
	s7 =	simm.s32 @p2 $0x1082  }
0x22: {  	[simem:s7], [sflag:s8] =	dma.local @!p0 [hbm:s6], $0xF7A  }
0x23: {  	s9 =	sor.u32 $0xD0000000, s2;
	s6 =	simm.s32 $0x108;
	_ =	swait.ge @!p0 [sflag:s8], $0x0  }
0x24: {  	s3 =	sadd.s32 $0x88, s3;
	s6 =	simm.s32 @!p1 $0x1082;
	[sflag:s4] =	ssyncset.s32 $0xFFFFF086  }
0x25: {  	[simem:s6], [sflag:s4] =	dma.local [hbm:s3], $0xF7A  }
0x26: {  	[smem:$0x3F83] =	sst s1;
	(tag) =	ssettag s2;
	_ =	strace s9  }
0x27: {  	s1 =	sld [smem:$0x3F93]  }
0x28: {  	s2 =	sld [smem:$0x3F94]  }
0x29: {  	s4 =	sld [smem:$0x3F96]  }
0x2a: {  	p0 =	seq.s32 s5, $0x0;
	s5 =	sld [smem:$0x3F97]  }
0x2b: {  	s6 =	sld [smem:$0x3F98]  }
0x2c: {  	s7 =	sld [smem:$0x3F99]  }
0x2d: {  	s3 =	simm.s32 $0x108;
	s8 =	sld [smem:$0x3F9A]  }
0x2e: {  	s3 =	simm.s32 @!p0 $0x1082;
	s9 =	sld [smem:$0x3F9B]  }
0x2f: {  	lr =	sadd.s32 s0, s3;
	s0 =	sld [smem:$0x3F92]  }
0x30: {  	s3 =	sld [smem:$0x3F95]  }
0x31: {  	[smem:$0x3F9E] =	sst s10  }
0x32: {  	s10 =	sld [smem:$0x3F9C];
	_ =	sdelay $0x3  }
0x33: {  	p0 =	seq.s32 s10, $0x1;
	s10 =	sld [smem:$0x3F9E];
	_ =	sdelay $0x3  }
0x34: {  	[smem:$0x3F9E] =	sst s10  }
0x35: {  	s10 =	sld [smem:$0x3F9D];
	_ =	sdelay $0x3  }
0x36: {  	p1 =	seq.s32 s10, $0x1;
	s10 =	sld [smem:$0x3F9E];
	_ =	sdelay $0x3  }
0x37: {  	[smem:$0x3F9E] =	sst s10  }
0x38: {  	s10 =	sld [smem:$0x3F9F]  }
0x39: {  	_ = 	snop;
	(pc) =	sbr.ind lr, $3  }
0x3a: {  	_ = 	snop  }
0x3b: {  	_ = 	snop  }
0x3c: {  	p2 =	seq.s32 s10, $0x1;
	s10 =	sld [smem:$0x3F9E]  }
0x3d: {  	_ =	shalt  }
0x3e: {  	_ =	shalt  }
0x3f: {  	_ =	shalt  }
0x40: {  	_ =	shalt  }
0x41: {  	_ =	shalt  }
0x42: {  	_ =	shalt  }
0x43: {  	_ =	shalt  }
0x44: {  	_ =	shalt  }
0x45: {  	_ =	shalt  }
0x46: {  	_ =	shalt  }
0x47: {  	_ =	shalt  }
0x48: {  	_ =	shalt  }
0x49: {  	_ =	shalt  }
0x4a: {  	_ =	shalt  }
0x4b: {  	_ =	shalt  }
0x4c: {  	_ =	shalt  }
0x4d: {  	_ =	shalt  }
0x4e: {  	_ =	shalt  }
0x4f: {  	_ =	shalt  }
0x50: {  	_ =	shalt  }
0x51: {  	_ =	shalt  }
0x52: {  	_ =	shalt  }
0x53: {  	_ =	shalt  }
0x54: {  	_ =	shalt  }
0x55: {  	_ =	shalt  }
0x56: {  	_ =	shalt  }
0x57: {  	_ =	shalt  }
0x58: {  	_ =	shalt  }
0x59: {  	_ =	shalt  }
0x5a: {  	_ =	shalt  }
0x5b: {  	_ =	shalt  }
0x5c: {  	_ =	shalt  }
0x5d: {  	_ =	shalt  }
0x5e: {  	_ =	shalt  }
0x5f: {  	_ =	shalt  }
0x60: {  	_ =	shalt  }
0x61: {  	_ =	shalt  }
0x62: {  	_ =	shalt  }
0x63: {  	_ =	shalt  }
0x64: {  	_ =	shalt  }
0x65: {  	_ =	shalt  }
0x66: {  	_ =	shalt  }
0x67: {  	_ =	shalt  }
0x68: {  	_ =	shalt  }
0x69: {  	_ =	shalt  }
0x6a: {  	_ =	shalt  }
0x6b: {  	_ =	shalt  }
0x6c: {  	_ =	shalt  }
0x6d: {  	_ =	shalt  }
0x6e: {  	_ =	shalt  }
0x6f: {  	_ =	shalt  }
0x70: {  	_ =	shalt  }
0x71: {  	_ =	shalt  }
0x72: {  	_ =	shalt  }
0x73: {  	_ =	shalt  }
0x74: {  	_ =	shalt  }
0x75: {  	_ =	shalt  }
0x76: {  	_ =	shalt  }
0x77: {  	_ =	shalt  }
0x78: {  	_ =	shalt  }
0x79: {  	_ =	shalt  }
0x7a: {  	_ =	shalt  }
0x7b: {  	_ =	shalt  }
0x7c: {  	_ =	shalt  }
0x7d: {  	_ =	shalt  }
0x7e: {  	_ =	shalt  }
0x7f: {  	_ =	shalt  }
0x80: {  	_ =	shalt  }
0x81: {  	_ =	shalt  }
0x82: {  	_ =	shalt  }
0x83: {  	_ =	shalt  }
0x84: {  	_ =	shalt  }
0x85: {  	_ =	shalt  }
0x86: {  	_ =	shalt  }
0x87: {  	_ =	shalt  }
.Lfunc_end0:
.L_simem_size_0:
called_computation_lowered:
.L_overlay_start_0:
0x88: {  	s2 =	sld [smem:$0x3FD9]  }
0x89: {  	s3 =	sld [smem:$0x3FFE];
	_ =	sdelay $0x1  }
0x8a: {  	s1 =	srdreg.scid  }
0x8b: {  	s0 =	sand.u32 $0x1, s1  }
0x8c: {  	s17 =	sshll.u32 s0, $0xA;
	s2 =	sadd.s32 s3, s2  }
0x8d: {  	s2 =	sadd.s32 s2, s17  }
0x8e: {  	[smem:$0x3FAA] =	sst s2  }
0x8f: {  	_ = 	snop  }
0x90: {  	s2 =	sld [smem:$0x3FD0];
	(tm) =	ssettm $0x1  }
0x91: {  	s18 =	sld [smem:$0x3FFB];
	_ =	sdelay $0x3  }
0x92: {  	_ =	strace s18  }
0x93: {  	s3 =	sld [smem:$0x3FFC];
	_ =	sdelay $0x3  }
0x94: {  	_ =	strace s3  }
0x95: {  	s3 =	sld [smem:$0x3FFD];
	_ =	sdelay $0x3  }
0x96: {  	_ =	strace s3  }
0x97: {  	_ =	strace $0x8FFFFFFF  }
0x98: {  	s19 =	sld [smem:$0x3FDB];
	_ =	sdelay $0x1  }
0x99: {  	s4 =	simm.s32 $_scs_section_size  }
0x9a: {  	s5 =	simm.s32 $_size__tile_overlayer_lowered;
	s6 =	simm.s32 $_tile_overlayer_lowered  }
0x9b: {  	s22 =	simm.s32 $0x1BFF;
	s21 =	sshll.u32 s6, $0x1;
	s3 =	sadd.s32 s4, s19  }
0x9c: {  	s7 =	simm.s32 $0x0;
	s20 =	sshll.u32 s5, $0x1;
	s5 =	sadd.s32 s21, s3  }
0x9d: {  	[timem:s7], [sflag:s22] =	dma.local [hbm:s5], s20  }
0x9e: {  	_ =	swait.ge [sflag:s22], s20  }
0x9f: {  	s4 =	ssub.s32 $0x0, s20;
	[sflag:s22] =	ssyncset.done $0x0  }
0xa0: {  	[sflag:s22] =	ssyncadd.s32 s4;
	_ =	sdelay $0x1  }
0xa1: {  	s23 =	simm.s32 $0x1B8B  }
0xa2: {  	_ =	swait.ge [sflag:s23], $0x1  }
0xa3: {  	[sflag:s23] =	ssyncset.done $0x0  }
0xa4: {  	s25 =	simm.s32 $0x1B8E;
	s24 =	sld [smem:$0x3FFE];
	[sflag:s23] =	ssyncadd.s32 $0xFFFFFFFF  }
0xa5: {  	s26 =	simm.s32 $execute0_lowered;
	[smem:$0x3FD2] =	sst s25  }
0xa6: {  	s5 =	sshll.u32 s26, $0x1;
	_ =	strace $0x80000046;
	[dreg:$0x1] =	wrdreg $0xFFFFFFFF  }
0xa7: {  	s28 =	simm.s32 $_size_execute0_lowered;
	s3 =	sadd.s32 s3, s5;
	[dreg:$0x0] =	wrdreg $0x0  }
0xa8: {  	s5 =	sshll.u32 s28, $0x1;
	[dreg:$0x2] =	wrdreg s3  }
0xa9: {  	[dreg:$0x3] =	wrdreg s5  }
0xaa: {  	[dreg:$0x4] =	wrdreg $0xC0  }
0xab: {  	_ =	task [dreg:s7], $0x5FFFF  }
0xac: {  	[dreg:$0x1] =	wrdreg $0xFFFFFFFF  }
0xad: {  	[dreg:$0x0] =	wrdreg $0x60  }
0xae: {  	[dreg:$0x2] =	wrdreg s24  }
0xaf: {  	[dreg:$0x3] =	wrdreg s2  }
0xb0: {  	[dreg:$0x4] =	wrdreg $0x9  }
0xb1: {  	_ =	task.clear_ibuf [dreg:s7], $0x5FFFF;
	_ =	strace $0x90000046  }
0xb2: {  	s29 =	simm.s32 $0x9;
	_ =	strace $0x80000048  }
0xb3: {  	_ =	swait.ge [sflag:s29], $0x1  }
0xb4: {  	[sflag:s29] =	ssyncadd.s32 $0xFFFFFFFF  }
0xb5: {  	_ =	strace $0x90000048  }
0xb6: {  	_ =	sfence  }
0xb7: {  	s30 =	sld [smem:$0x0];
	_ =	sdelay $0x2  }
0xb8: {  	s31 =	sshll.u32 s1, $0xD;
	s1 =	sshrl.u32 s1, $0x2  }
0xb9: {  	s3 =	sand.u32 $0x4000, s31;
	s1 =	sadd.s32 s1, s30  }
0xba: {  	s0 =	sor.u32 s3, s0;
	s1 =	sshll.u32 s1, $0x11  }
0xbb: {  	s0 =	sor.u32 s1, s0  }
0xbc: {  	s0 =	sadd.s32 $0x8F2B, s0  }
0xbd: {  	[sflag:s0] =	ssyncadd.remote.s32 $0x1  }
0xbe: {  	_ =	sfence.sel $0xFFFF  }
0xbf: {  	[dreg:$0x0] =	wrdreg $0xFFFFFFFF;
	(pc) =	sbr.abs _section_cstart, $3  }
0xc0: {  	[dreg:$0x1] =	wrdreg $0xFFFFFFFF  }
0xc1: {  	_ =	task.clear_ibuf [dreg:s7], $0x2FFFF;
	_ =	strace $0x9FFFFFFF  }
0xc2: {  	(tm) =	ssettm $0x7FFFFFFF  }
0xc3: {  	_ =	shalt  }
tec
execute0_lowered:
.L_overlay_start_1:
0x0: {  	(tag) =	ssettag $0x1  }
0x1: {  	s1 =	srdreg.scid  }
0x2: {  	s0 =	stileid.u32;
	s14 =	sand.u32 $0x1, s1  }
0x3: {  	s15 =	rddreg [dreg:$0x0];
	s30 =	sshll.u32 s0, $0x7;
	s3 =	sshll.u32 s14, $0x6  }
0x4: {  	s2 =	rddreg [dreg:$0x1];
	s13 =	sor.u32 s3, s30  }
0x5: {  	s1 =	rddreg [dreg:$0x2];
	s3 =	simm.s32 $0x0;
	s4 =	sshrl.u32 s13, $0x3  }
0x6: {  	[smem:$0x7FF] =	sst s3;
	s4 =	sadd.s32 s4, s15  }
0x7: {  	_ =	strace $0x80000047;
	s5 =	sadd.s32 $0x6200, s4;
	s4 =	simm.s32 $0x2  }
0x8: {  	[tilespmem:s3], [sflag:$0x2] =	stream.linear.gather [hbm4b:s5+s3], $0x40, $0x38;
	[tilespmem:$0xE80] =	vst v63  }
0x9: {  	_ =	swait.ge [sflag:s4], $0x40  }
0xa: {  	s7 =	simm.s32 $0x40;
	s8 =	simm.s32 $0x80;
	[sflag:s4] =	ssyncset.done $0x0  }
0xb: {  	s9 =	simm.s32 $0x1;
	s6 =	sadd.s32 $0x6400, s15;
	[sflag:s4] =	ssyncadd.s32 $0xFFFFFFC0  }
0xc: {  	[tilespmem:s8], [sflag:$0x1] =	stream.indirect.gather [hbm4b:s6+s7], $0x10, s3, s7, $0xb8;
	[tilespmem:$0xE80] =	vst v63  }
0xd: {  	_ =	swait.ge [sflag:s9], $0x400  }
0xe: {  	[sflag:s9] =	ssyncset.done $0x0  }
0xf: {  	s10 =	simm.s32 $0x480;
	[sflag:s9] =	ssyncadd.s32 $0xFFFFFC00  }
0x10: {  	[tilespmem:s10], [sflag:$0x1] =	stream.indirect.gather [hbm4b:s2+s7], $0x18, s3, s7, $0xb8;
	[tilespmem:$0xE80] =	vst v63  }
0x11: {  	_ =	swait.ge [sflag:s9], $0x600  }
0x12: {  	[sflag:s9] =	ssyncset.done $0x0  }
0x13: {  	[sflag:s9] =	ssyncadd.s32 $0xFFFFFA00  }
0x14: {  	v0 =	vld [tilespmem:$0x30]  }
0x15: {  	v1 =	vld [tilespmem:$0x0]  }
0x16: {  	v2 =	vld [tilespmem:$0x20]  }
0x17: {  	v3 =	vld [tilespmem:$0x10];
	_ =	sdelay $0x1  }
0x18: {  	v0 =	vshrl.u32 v0, $0x6  }
0x19: {  	v1 =	vshrl.u32 v1, $0x6;
	[tilespmem:$0x70] =	vst v0  }
0x1a: {  	v62 =	vshrl.u32 v2, $0x6;
	[tilespmem:$0x40] =	vst v1  }
0x1b: {  	s11 =	simm.s32 $0xA80;
	v63 =	vshrl.u32 v3, $0x6;
	[tilespmem:$0x60] =	vst v62  }
0x1c: {  	s12 =	sadd.s32 $0x8400, s15;
	s14 =	ssub.s32 $0x2, s14;
	s16 =	sshll.u32 s13, $0x1;
	[tilespmem:$0x50] =	vst v63  }
0x1d: {  	[tilespmem:s11], [sflag:$0x1] =	stream.indirect.gather [hbm4b:s12+s7], $0x10, s7, s7, $0xb8;
	[tilespmem:$0xE80] =	vst v63  }
0x1e: {  	s17 =	smul.u32 $0x3, s13;
	s16 =	sadd.s32 s16, s15;
	_ =	swait.ge [sflag:s9], $0x400  }
0x1f: {  	s31 =	sshrl.u32 s14, $0x1;
	s13 =	sadd.s32 $0x9600, s16;
	[sflag:s9] =	ssyncset.done $0x0  }
0x20: {  	s15 =	sadd.s32 s17, s15;
	s17 =	ssub.s32 s14, s31;
	[sflag:s9] =	ssyncadd.s32 $0xFFFFFC00  }
0x21: {  	[hbm4b:s13+s3] =	stream.linear.scatter [tilespmem:s8], [sflag:$0x2], $0x400, $0x38;
	[tilespmem:$0xE80] =	vst v63  }
0x22: {  	s17 =	smax.u32 s17, $0x1;
	_ =	swait.ge [sflag:s4], $0x400  }
0x23: {  	p0 =	sne.s32 s17, $0x1;
	[sflag:s4] =	ssyncset.done $0x0  }
.Ltmp0:
0x24: {  	s14 =	sadd.s32 $0xA600, s15;
	[sflag:s4] =	ssyncadd.s32 $0xFFFFFC00;
	(pc) =	sbr.rel @!p0 .LBB2_2-.Ltmp0, $4  }
0x25: {  	[hbm4b:s14+s3] =	stream.linear.scatter [tilespmem:s10], [sflag:$0x2], $0x600, $0x38;
	[tilespmem:$0xE80] =	vst v63  }
0x26: {  	_ =	swait.ge [sflag:s4], $0x600  }
0x27: {  	[sflag:s4] =	ssyncset.done $0x0  }
0x28: {  	s15 =	sadd.s32 $0x8600, s16;
	s16 =	sadd.s32 $0xFFFFFFFF, s17;
	[sflag:s4] =	ssyncadd.s32 $0xFFFFFA00  }
.LBB2_1:
0x29: {  	[hbm4b:s15+s3] =	stream.linear.scatter [tilespmem:s11], [sflag:$0x2], $0x400, $0x38;
	[tilespmem:$0xE80] =	vst v63  }
0x2a: {  	p0 =	sne.s32 s16, $0x1;
	s16 =	sadd.s32 $0xFFFFFFFF, s16;
	_ =	swait.ge [sflag:s4], $0x400  }
0x2b: {  	[sflag:s4] =	ssyncset.done $0x0  }
0x2c: {  	[sflag:s4] =	ssyncadd.s32 $0xFFFFFC00  }
0x2d: {  	[tilespmem:s3], [sflag:$0x2] =	stream.linear.gather [hbm4b:s5+s3], $0x40, $0x38;
	[tilespmem:$0xE80] =	vst v63  }
0x2e: {  	_ =	swait.ge [sflag:s4], $0x40  }
0x2f: {  	[sflag:s4] =	ssyncset.done $0x0  }
0x30: {  	[sflag:s4] =	ssyncadd.s32 $0xFFFFFFC0  }
0x31: {  	[tilespmem:s8], [sflag:$0x1] =	stream.indirect.gather [hbm4b:s6+s7], $0x10, s3, s7, $0xb8;
	[tilespmem:$0xE80] =	vst v63  }
0x32: {  	_ =	swait.ge [sflag:s9], $0x400  }
0x33: {  	[sflag:s9] =	ssyncset.done $0x0  }
0x34: {  	[sflag:s9] =	ssyncadd.s32 $0xFFFFFC00  }
0x35: {  	[tilespmem:s10], [sflag:$0x1] =	stream.indirect.gather [hbm4b:s2+s7], $0x18, s3, s7, $0xb8;
	[tilespmem:$0xE80] =	vst v63  }
0x36: {  	_ =	swait.ge [sflag:s9], $0x600  }
0x37: {  	[sflag:s9] =	ssyncset.done $0x0  }
0x38: {  	[sflag:s9] =	ssyncadd.s32 $0xFFFFFA00  }
0x39: {  	v0 =	vld [tilespmem:$0x30]  }
0x3a: {  	v1 =	vld [tilespmem:$0x0]  }
0x3b: {  	v2 =	vld [tilespmem:$0x20]  }
0x3c: {  	v3 =	vld [tilespmem:$0x10];
	_ =	sdelay $0x1  }
0x3d: {  	v0 =	vshrl.u32 v0, $0x6  }
0x3e: {  	v1 =	vshrl.u32 v1, $0x6;
	[tilespmem:$0x70] =	vst v0  }
0x3f: {  	[tilespmem:$0x40] =	vst v1;
	v0 =	vshrl.u32 v2, $0x6  }
0x40: {  	v1 =	vshrl.u32 v3, $0x6;
	[tilespmem:$0x60] =	vst v0  }
0x41: {  	[tilespmem:$0x50] =	vst v1  }
0x42: {  	[tilespmem:s11], [sflag:$0x1] =	stream.indirect.gather [hbm4b:s12+s7], $0x10, s7, s7, $0xb8;
	[tilespmem:$0xE80] =	vst v63  }
0x43: {  	_ =	swait.ge [sflag:s9], $0x400  }
0x44: {  	[sflag:s9] =	ssyncset.done $0x0  }
0x45: {  	[sflag:s9] =	ssyncadd.s32 $0xFFFFFC00  }
0x46: {  	[hbm4b:s13+s3] =	stream.linear.scatter [tilespmem:s8], [sflag:$0x2], $0x400, $0x38;
	[tilespmem:$0xE80] =	vst v63  }
0x47: {  	_ =	swait.ge [sflag:s4], $0x400  }
0x48: {  	[sflag:s4] =	ssyncset.done $0x0  }
.Ltmp1:
0x49: {  	[sflag:s4] =	ssyncadd.s32 $0xFFFFFC00;
	(pc) =	sbr.rel @p0 .LBB2_1-.Ltmp1, $4  }
0x4a: {  	[hbm4b:s14+s3] =	stream.linear.scatter [tilespmem:s10], [sflag:$0x2], $0x600, $0x38;
	[tilespmem:$0xE80] =	vst v63  }
0x4b: {  	_ =	swait.ge [sflag:s4], $0x600  }
0x4c: {  	[sflag:s4] =	ssyncset.done $0x0  }
0x4d: {  	[sflag:s4] =	ssyncadd.s32 $0xFFFFFA00  }
.LBB2_2:
0x4e: {  	[hbm4b:s15+s3] =	stream.linear.scatter [tilespmem:s11], [sflag:$0x2], $0x400, $0x38;
	[tilespmem:$0xE80] =	vst v63  }
0x4f: {  	_ =	swait.ge [sflag:s4], $0x400  }
0x50: {  	[sflag:s4] =	ssyncset.done $0x0  }
0x51: {  	[sflag:s4] =	ssyncadd.s32 $0xFFFFFC00  }
0x52: {  	_ =	sfence.sel $0x180000  }
0x53: {  	[bflag:$0x0] =	sbarrier.arrive $0xFFFF  }
0x54: {  	p0 =	sne.s32 s0, $0x0;
	_ =	strace $0x90000047  }
0x55: {  	s0 =	sadd.s32 @!p0 $0x100000, s1;
	[bflag:$0x2] =	sbarrier.arrive $0xFFFF  }
0x56: {  	[sflag:s0] =	ssyncadd.tile.s32 @!p0 $0x1;
	_ =	shalt  }
.Lfunc_end2:
_tile_overlayer_lowered:
.L_overlay_start_2:
0x57: {  	(tag) =	ssettag $0x2  }
0x58: {  	s0 =	rddreg [dreg:$0x0];
	s2 =	stileid.u32  }
0x59: {  	s1 =	rddreg [dreg:$0x1];
	p0 =	sne.s32 s2, $0x0  }
0x5a: {  	s3 =	rddreg [dreg:$0x2];
	[bflag:$0x3] =	sbarrier.arrive $0xFFFF;
	s2 =	simm.s32 @!p0 $0x1C02  }
0x5b: {  	[timem:s3], [sflag:s2] =	dma.local @!p0 [hbm:s0], s1  }
0x5c: {  	s0 =	simm.s32 @!p0 $0x2  }
0x5d: {  	_ =	swait.ge @!p0 [sflag:s0], s1  }
0x5e: {  	s1 =	ssub.s32 @!p0 $0x0, s1;
	[sflag:s0] =	ssyncset.done @!p0 $0x0  }
0x5f: {  	[sflag:s0] =	ssyncadd.s32 @!p0 s1  }
0x60: {  	[bflag:$0x3] =	sbarrier.arrive $0xFFFF  }
0x61: {  	_ =	shalt  }

</sc_bundles>
